<compile_context>
chip_gen: v7x
topology: tpu7x:2x2x1
jax: 0.10.2.dev20260603
libtpu: 0.0.44.dev20260713+nightly
codegen_flags: <defaults>
</compile_context>

<pallas_src>
import functools

import jax
import jax.numpy as jnp
import numpy as np
from jax import lax
from jax.experimental import pallas as pl
from jax.experimental.pallas import tpu as pltpu
from jax.experimental.pallas import tpu_sc as plsc

NSC = 2
NSUB = 16
LANES = 16
CH = 128

F32 = jnp.float32
I32 = jnp.int32


def _cdiv(a, b):
    return (a + b - 1) // b



def _histogram(dst, n):
    e = dst.shape[0]
    npad = _cdiv(n + 1, NSUB * LANES) * NSUB * LANES
    zslice = npad // NSUB
    epc = e // NSC
    kmax = epc // (NSUB * CH)

    mesh = plsc.VectorSubcoreMesh(core_axis_name="c", subcore_axis_name="s")

    @functools.partial(
        pl.kernel,
        mesh=mesh,
        out_type=[
            jax.ShapeDtypeStruct((npad,), F32),
            jax.ShapeDtypeStruct((npad,), F32),
        ],
        scratch_types=[
            pltpu.VMEM_SHARED((npad,), F32),
            pltpu.VMEM((kmax * CH,), I32),
            pltpu.VMEM((CH,), F32),
            pltpu.VMEM((zslice,), F32),
        ],
    )
    def k(dst_hbm, p0_hbm, p1_hbm, deg_sh, idxall, ones_v, zb):
        c = lax.axis_index("c")
        s = lax.axis_index("s")

        pltpu.sync_copy(dst_hbm.at[pl.ds((c * NSUB + s) * kmax * CH, kmax * CH)],
                        idxall)

        @pl.loop(0, zslice // LANES)
        def _(i):
            zb[pl.ds(i * LANES, LANES)] = jnp.zeros((LANES,), F32)

        pltpu.sync_copy(zb, deg_sh.at[pl.ds(s * zslice, zslice)])

        @pl.loop(0, CH // LANES)
        def _(i):
            ones_v[pl.ds(i * LANES, LANES)] = jnp.ones((LANES,), F32)

        plsc.subcore_barrier()

        @pl.loop(0, kmax)
        def _(k):
            pltpu.sync_copy(ones_v, deg_sh.at[idxall.at[pl.ds(k * CH, CH)]],
                            add=True)

        plsc.subcore_barrier()

        @pl.when(c == 0)
        def _():
            pltpu.sync_copy(deg_sh.at[pl.ds(s * zslice, zslice)],
                            p0_hbm.at[pl.ds(s * zslice, zslice)])

        @pl.when(c == 1)
        def _():
            pltpu.sync_copy(deg_sh.at[pl.ds(s * zslice, zslice)],
                            p1_hbm.at[pl.ds(s * zslice, zslice)])

    return k(dst)



def _matmul_scale(x, w, p0, p1, rows_per_blk):
    n, din = x.shape
    dout = w.shape[1]
    half = dout // 2
    grid = n // rows_per_blk

    def body(x_ref, w_ref, p0_ref, p1_ref, y_ref, dinv_ref):
        deg = p0_ref[...] + p1_ref[...] + 1.0
        dinv = lax.rsqrt(deg)
        dinv_ref[...] = dinv
        xw = jnp.dot(x_ref[...], w_ref[...], preferred_element_type=F32)
        y = xw * dinv
        y_ref[0] = y[:, :half]
        y_ref[1] = y[:, half:]

    return pl.pallas_call(
        body,
        grid=(grid,),
        in_specs=[
            pl.BlockSpec((rows_per_blk, din), lambda i: (i, 0)),
            pl.BlockSpec((din, dout), lambda i: (0, 0)),
            pl.BlockSpec((rows_per_blk, 1), lambda i: (i, 0)),
            pl.BlockSpec((rows_per_blk, 1), lambda i: (i, 0)),
        ],
        out_specs=[
            pl.BlockSpec((NSC, rows_per_blk, half), lambda i: (0, i, 0)),
            pl.BlockSpec((rows_per_blk, 1), lambda i: (i, 0)),
        ],
        out_shape=[
            jax.ShapeDtypeStruct((NSC, n, half), F32),
            jax.ShapeDtypeStruct((n, 1), F32),
        ],
    )(x, w, p0, p1)



def _gather_scatter(y3, src, dst, n):
    e = src.shape[0]
    half = y3.shape[2]
    kmax = e // (NSUB * CH)
    rows_pw = (n // NSUB) // 8 * 8
    rem = n - (NSUB - 1) * rows_pw - rows_pw
    nacc = n + 8

    mesh = plsc.VectorSubcoreMesh(core_axis_name="c", subcore_axis_name="s")

    nbuf = 3
    lag = 2

    @functools.partial(
        pl.kernel,
        mesh=mesh,
        out_type=jax.ShapeDtypeStruct((NSC, n, half), F32),
        scratch_types=[
            pltpu.VMEM_SHARED((nacc, half), F32),
            pltpu.VMEM((nbuf, CH), I32),
            pltpu.VMEM((nbuf, CH), I32),
            pltpu.VMEM((nbuf, CH, half), F32),
            pltpu.SemaphoreType.DMA,
            pltpu.SemaphoreType.DMA,
            pltpu.SemaphoreType.DMA,
            pltpu.SemaphoreType.DMA,
            pltpu.SemaphoreType.DMA,
            pltpu.SemaphoreType.DMA,
        ],
    )
    def k(y_hbm, src_hbm, dst_hbm, s_hbm, acc_sh, srcb, dstb, gbuf,
          gs0, gs1, gs2, ss0, ss1, ss2):
        c = lax.axis_index("c")
        s = lax.axis_index("s")
        yc = y_hbm.at[c]
        gsems = (gs0, gs1, gs2)
        ssems = (ss0, ss1, ss2)

        def wait_scatter(trip, b):
            @pl.when(jnp.logical_and(trip >= 0, trip < kmax))
            def _():
                pltpu.make_async_copy(gbuf.at[b], acc_sh.at[dstb.at[b]],
                                      ssems[b]).wait()

        def start_gather(trip, b):
            @pl.when(trip < kmax)
            def _():
                base = (trip * NSUB + s) * CH
                pltpu.sync_copy(src_hbm.at[pl.ds(base, CH)], srcb.at[b])
                pltpu.async_copy(yc.at[srcb.at[b]], gbuf.at[b], gsems[b])
                pltpu.sync_copy(dst_hbm.at[pl.ds(base, CH)], dstb.at[b])

        def start_scatter(trip, b):
            @pl.when(jnp.logical_and(trip >= 0, trip < kmax))
            def _():
                pltpu.make_async_copy(yc.at[srcb.at[b]], gbuf.at[b],
                                      gsems[b]).wait()
                pltpu.async_copy(gbuf.at[b], acc_sh.at[dstb.at[b]], ssems[b],
                                 add=True)

        pltpu.sync_copy(yc.at[pl.ds(s * rows_pw, rows_pw)],
                        acc_sh.at[pl.ds(s * rows_pw, rows_pw)])

        @pl.when(s == NSUB - 1)
        def _():
            pltpu.sync_copy(yc.at[pl.ds(NSUB * rows_pw, rem)],
                            acc_sh.at[pl.ds(NSUB * rows_pw, rem)])

        plsc.subcore_barrier()

        tend = _cdiv(kmax + lag, nbuf) * nbuf

        @pl.loop(0, tend, step=nbuf)
        def _(k):
            for b in range(nbuf):
                t = k + b
                wait_scatter(t - nbuf, b)
                start_gather(t, b)
                start_scatter(t - lag, (b - lag) % nbuf)

        for d in range(nbuf):
            wait_scatter(tend - nbuf + d, d)

        plsc.subcore_barrier()

        pltpu.sync_copy(acc_sh.at[pl.ds(s * rows_pw, rows_pw)],
                        s_hbm.at[c, pl.ds(s * rows_pw, rows_pw)])

        @pl.when(s == NSUB - 1)
        def _():
            pltpu.sync_copy(acc_sh.at[pl.ds(NSUB * rows_pw, rem)],
                            s_hbm.at[c, pl.ds(NSUB * rows_pw, rem)])

    return k(y3, src, dst)



def _epilogue(s3, dinv, b, gamma, beta, rows_per_blk):
    n = s3.shape[1]
    half = s3.shape[2]
    dout = 2 * half
    grid = n // rows_per_blk
    bn_scale = np.float32(1.0 / np.sqrt(1.0 + 1e-5))

    def body(s_ref, dinv_ref, b_ref, g_ref, bt_ref, o_ref):
        dinv = dinv_ref[...]
        for h in range(2):
            sl = slice(h * half, (h + 1) * half)
            t = s_ref[h] * dinv + b_ref[:, sl]
            t = jnp.where(t >= 0, t, 0.01 * t)
            o_ref[:, sl] = t * (g_ref[:, sl] * bn_scale) + bt_ref[:, sl]

    return pl.pallas_call(
        body,
        grid=(grid,),
        in_specs=[
            pl.BlockSpec((NSC, rows_per_blk, half), lambda i: (0, i, 0)),
            pl.BlockSpec((rows_per_blk, 1), lambda i: (i, 0)),
            pl.BlockSpec((1, dout), lambda i: (0, 0)),
            pl.BlockSpec((1, dout), lambda i: (0, 0)),
            pl.BlockSpec((1, dout), lambda i: (0, 0)),
        ],
        out_specs=pl.BlockSpec((rows_per_blk, dout), lambda i: (i, 0)),
        out_shape=jax.ShapeDtypeStruct((n, dout), F32),
    )(s3, dinv, b, gamma, beta)



@jax.jit
def kernel(x, edge_index, W, b, gamma, beta):
    n = x.shape[0]
    src = edge_index[0]
    dst = edge_index[1]

    e = src.shape[0]
    epad = _cdiv(e, NSC * NSUB * CH) * NSC * NSUB * CH
    src = jnp.concatenate([src, jnp.zeros((epad - e,), src.dtype)])
    dst = jnp.concatenate([dst, jnp.full((epad - e,), n, dst.dtype)])

    p0, p1 = _histogram(dst, n)
    y3, dinv = _matmul_scale(x, W, p0[:n].reshape(n, 1), p1[:n].reshape(n, 1),
                             rows_per_blk=1000)
    s3 = _gather_scatter(y3, src, dst, n)
    out = _epilogue(s3, dinv, b.reshape(1, -1), gamma.reshape(1, -1),
                    beta.reshape(1, -1), rows_per_blk=1000)
    return out

# --- scband reference (transcript-rebuilt; emitter-appended) ---
"""Pipeline reference for scband-gcn-block-6090263626102 (READ-ONLY COPY).

The authoritative reference and input builder live on the scoring server;
editing this copy changes nothing except your own understanding.
"""

import jax, jax.numpy as jnp
import numpy as np

N = 10000
E = 160000
IN = 256
OUT = 256

def setup_inputs(seed: int = 0) -> dict:
    key = jax.random.key(seed)
    k1, k2, k3 = jax.random.split(key, 3)
    x = jax.random.normal(k1, (N, IN), dtype=jnp.float32)
    edge_index = jax.random.randint(k2, (2, E), 0, N, dtype=jnp.int32)
    W = jax.random.normal(k3, (IN, OUT), dtype=jnp.float32) * (1.0 / np.sqrt(IN))
    b = jnp.zeros((OUT,), dtype=jnp.float32)
    gamma = jnp.ones((OUT,), dtype=jnp.float32)
    beta = jnp.zeros((OUT,), dtype=jnp.float32)
    return {"x": x, "edge_index": edge_index, "W": W, "b": b, "gamma": gamma, "beta": beta}

def reference(x, edge_index, W, b, gamma, beta):
    n = x.shape[0]
    # GCNConv: linear transform
    xw = x @ W
    src = edge_index[0]
    dst = edge_index[1]
    # add self loops (GCNConv default add_self_loops=True)
    loop = jnp.arange(n, dtype=src.dtype)
    src_f = jnp.concatenate([src, loop])
    dst_f = jnp.concatenate([dst, loop])
    # symmetric normalization deg^{-1/2}
    ones = jnp.ones(src_f.shape[0], dtype=xw.dtype)
    deg = jax.ops.segment_sum(ones, dst_f, num_segments=n)
    dinv = jnp.where(deg > 0, 1.0 / jnp.sqrt(deg), 0.0)
    norm = dinv[src_f] * dinv[dst_f]
    # gather messages from src, scale, scatter-add into dst
    msgs = xw[src_f] * norm[:, None]
    out = jax.ops.segment_sum(msgs, dst_f, num_segments=n)
    out = out + b
    # LeakyReLU (default negative_slope=0.01)
    out = jnp.where(out >= 0, out, 0.01 * out)
    # BatchNorm1d in eval mode: running_mean=0, running_var=1
    eps = 1e-5
    out = (out - 0.0) / jnp.sqrt(1.0 + eps) * gamma + beta
    # Dropout in eval mode: identity
    return out

if __name__ == "__main__":
    import jax
    _d = setup_inputs()
    print(jax.jit(kernel)(*tuple(_d.values())))

</pallas_src>

<mosaic_0001>
#map = affine_map<(d0, d1) -> (0)>
module attributes {stable_mosaic.version = 14 : i64} {
  func.func @k(%arg0: i32, %arg1: i32, %arg2: memref<163840xi32, #tpu.memory_space<hbm>>, %arg3: memref<10240xf32, #tpu.memory_space<hbm>>, %arg4: memref<10240xf32, #tpu.memory_space<hbm>>, %arg5: memref<10240xf32, #tpu.memory_space<vmem_shared>>, %arg6: memref<5120xi32, #tpu.memory_space<vmem>>, %arg7: memref<128xf32, #tpu.memory_space<vmem>>, %arg8: memref<640xf32, #tpu.memory_space<vmem>>) attributes {dimension_semantics = [#tpu.dimension_semantics<core_parallel>, #tpu.dimension_semantics<subcore_parallel>], iteration_bounds = array<i64: 2, 16>, scalar_prefetch = 0 : i64, scratch_operands = 4 : i64, tpu.core_type = #tpu.core_type<sc_vector_subcore>, window_params = [{transform_indices = #map}, {transform_indices = #map}, {transform_indices = #map}]} {
    %mul3A = arith.constant 16 : i32
    %mul3A_0 = arith.muli %arg0, %mul3A : i32
    %add3A = arith.addi %mul3A_0, %arg1 : i32
    %mul3A_1 = arith.constant 40 : i32
    %mul3A_2 = arith.muli %add3A, %mul3A_1 : i32
    %mul3A_3 = arith.constant 128 : i32
    %mul3A_4 = arith.muli %mul3A_2, %mul3A_3 : i32
    "tpu.region"() ({
      %run_scoped3A = tpu.sem_alloc : memref<!tpu.dma_semaphore, #tpu.memory_space<semaphore_mem>>
      %dma_start3A = tpu.memref_slice %arg2[%mul3A_4] : memref<163840xi32, #tpu.memory_space<hbm>> -> memref<5120xi32, #tpu.memory_space<hbm>>
      %dma_start3A_29 = tpu.memref_slice %arg2[%mul3A_4] : memref<163840xi32, #tpu.memory_space<hbm>> -> memref<5120xi32, #tpu.memory_space<hbm>>
      tpu.enqueue_dma source(%dma_start3A_29 : memref<5120xi32, #tpu.memory_space<hbm>>) target(%arg6 : memref<5120xi32, #tpu.memory_space<vmem>>) target_semaphore(%run_scoped3A : memref<!tpu.dma_semaphore, #tpu.memory_space<semaphore_mem>>)
      %dma_wait3A = tpu.memref_slice %arg2[%mul3A_4] : memref<163840xi32, #tpu.memory_space<hbm>> -> memref<5120xi32, #tpu.memory_space<hbm>>
      %dma_wait3A_30 = tpu.memref_slice %arg2[%mul3A_4] : memref<163840xi32, #tpu.memory_space<hbm>> -> memref<5120xi32, #tpu.memory_space<hbm>>
      tpu.wait_dma2 semaphore(%run_scoped3A : memref<!tpu.dma_semaphore, #tpu.memory_space<semaphore_mem>>) src(%dma_wait3A_30 : memref<5120xi32, #tpu.memory_space<hbm>>) dst(%arg6 : memref<5120xi32, #tpu.memory_space<vmem>>)
      tpu.yield
    }) : () -> ()
    %scan3A = arith.constant 0 : i32
    %scan3A_5 = arith.constant 40 : i32
    %scan3A_6 = arith.addi %scan3A, %scan3A_5 : i32
    %scan3A_7 = arith.constant 1 : i32
    scf.for %scan3A_29 = %scan3A to %scan3A_6 step %scan3A_7  : i32 {
      %mul3A_30 = arith.constant 1 : i32
      %mul3A_31 = arith.muli %scan3A_29, %mul3A_30 : i32
      %add3A_32 = arith.constant 0 : i32
      %add3A_33 = arith.addi %add3A_32, %mul3A_31 : i32
      %broadcast_in_dim3A = arith.constant 0.000000e+00 : f32
      %broadcast_in_dim3A_34 = vector.broadcast %broadcast_in_dim3A : f32 to vector<16xf32>
      %mul3A_35 = arith.constant 16 : i32
      %mul3A_36 = arith.muli %add3A_33, %mul3A_35 : i32
      %swap3A = arith.index_cast %mul3A_36 : i32 to index
      %swap3A_37 = tpu.vector_load %arg8[%swap3A] {strides = array<i32>} : memref<640xf32, #tpu.memory_space<vmem>>, vector<16xf32>,
      %swap3A_38 = vector.shape_cast %swap3A_37 : vector<16xf32> to vector<16xf32>
      %swap3A_39 = vector.shape_cast %broadcast_in_dim3A_34 : vector<16xf32> to vector<16xf32>
      tpu.vector_store %arg8[%swap3A], %swap3A_39 {strides = array<i32>} : memref<640xf32, #tpu.memory_space<vmem>>, vector<16xf32>,
    }
    %scan3A_8 = arith.constant 40 : i32
    %mul3A_9 = arith.constant 640 : i32
    %mul3A_10 = arith.muli %arg1, %mul3A_9 : i32
    "tpu.region"() ({
      %run_scoped3A = tpu.sem_alloc : memref<!tpu.dma_semaphore, #tpu.memory_space<semaphore_mem>>
      %dma_start3A = tpu.memref_slice %arg5[%mul3A_10] : memref<10240xf32, #tpu.memory_space<vmem_shared>> -> memref<640xf32, #tpu.memory_space<vmem_shared>>
      %dma_start3A_29 = tpu.memref_slice %arg5[%mul3A_10] : memref<10240xf32, #tpu.memory_space<vmem_shared>> -> memref<640xf32, #tpu.memory_space<vmem_shared>>
      tpu.enqueue_dma source(%arg8 : memref<640xf32, #tpu.memory_space<vmem>>) target(%dma_start3A_29 : memref<640xf32, #tpu.memory_space<vmem_shared>>) target_semaphore(%run_scoped3A : memref<!tpu.dma_semaphore, #tpu.memory_space<semaphore_mem>>)
      %dma_wait3A = tpu.memref_slice %arg5[%mul3A_10] : memref<10240xf32, #tpu.memory_space<vmem_shared>> -> memref<640xf32, #tpu.memory_space<vmem_shared>>
      %dma_wait3A_30 = tpu.memref_slice %arg5[%mul3A_10] : memref<10240xf32, #tpu.memory_space<vmem_shared>> -> memref<640xf32, #tpu.memory_space<vmem_shared>>
      tpu.wait_dma2 semaphore(%run_scoped3A : memref<!tpu.dma_semaphore, #tpu.memory_space<semaphore_mem>>) src(%arg8 : memref<640xf32, #tpu.memory_space<vmem>>) dst(%dma_wait3A_30 : memref<640xf32, #tpu.memory_space<vmem_shared>>)
      tpu.yield
    }) : () -> ()
    %scan3A_11 = arith.constant 0 : i32
    %scan3A_12 = arith.constant 8 : i32
    %scan3A_13 = arith.addi %scan3A_11, %scan3A_12 : i32
    %scan3A_14 = arith.constant 1 : i32
    scf.for %scan3A_29 = %scan3A_11 to %scan3A_13 step %scan3A_14  : i32 {
      %mul3A_30 = arith.constant 1 : i32
      %mul3A_31 = arith.muli %scan3A_29, %mul3A_30 : i32
      %add3A_32 = arith.constant 0 : i32
      %add3A_33 = arith.addi %add3A_32, %mul3A_31 : i32
      %broadcast_in_dim3A = arith.constant 1.000000e+00 : f32
      %broadcast_in_dim3A_34 = vector.broadcast %broadcast_in_dim3A : f32 to vector<16xf32>
      %mul3A_35 = arith.constant 16 : i32
      %mul3A_36 = arith.muli %add3A_33, %mul3A_35 : i32
      %swap3A = arith.index_cast %mul3A_36 : i32 to index
      %swap3A_37 = tpu.vector_load %arg7[%swap3A] {strides = array<i32>} : memref<128xf32, #tpu.memory_space<vmem>>, vector<16xf32>,
      %swap3A_38 = vector.shape_cast %swap3A_37 : vector<16xf32> to vector<16xf32>
      %swap3A_39 = vector.shape_cast %broadcast_in_dim3A_34 : vector<16xf32> to vector<16xf32>
      tpu.vector_store %arg7[%swap3A], %swap3A_39 {strides = array<i32>} : memref<128xf32, #tpu.memory_space<vmem>>, vector<16xf32>,
    }
    %scan3A_15 = arith.constant 8 : i32
    %barrier3A = arith.constant 0 : index
    tpu.barrier barrier_id(%barrier3A)
    %scan3A_16 = arith.constant 0 : i32
    %scan3A_17 = arith.constant 40 : i32
    %scan3A_18 = arith.addi %scan3A_16, %scan3A_17 : i32
    %scan3A_19 = arith.constant 1 : i32
    scf.for %scan3A_29 = %scan3A_16 to %scan3A_18 step %scan3A_19  : i32 {
      %mul3A_30 = arith.constant 1 : i32
      %mul3A_31 = arith.muli %scan3A_29, %mul3A_30 : i32
      %add3A_32 = arith.constant 0 : i32
      %add3A_33 = arith.addi %add3A_32, %mul3A_31 : i32
      %mul3A_34 = arith.constant 128 : i32
      %mul3A_35 = arith.muli %add3A_33, %mul3A_34 : i32
      "tpu.region"() ({
        %run_scoped3A = tpu.sem_alloc : memref<!tpu.dma_semaphore, #tpu.memory_space<semaphore_mem>>
        %dma_start3A = tpu.memref_slice %arg6[%mul3A_35] : memref<5120xi32, #tpu.memory_space<vmem>> -> memref<128xi32, #tpu.memory_space<vmem>>
        %dma_start3A_36 = arith.constant 0 : i32
        %dma_start3A_37 = tpu.memref_slice %arg5[%dma_start3A_36] : memref<10240xf32, #tpu.memory_space<vmem_shared>> -> memref<10240xf32, #tpu.memory_space<vmem_shared>>
        tpu.enqueue_indirect_dma source(%arg7 : memref<128xf32, #tpu.memory_space<vmem>>) target(%dma_start3A_37 : memref<10240xf32, #tpu.memory_space<vmem_shared>>) offsets(%dma_start3A : memref<128xi32, #tpu.memory_space<vmem>>) semaphore(%run_scoped3A : memref<!tpu.dma_semaphore, #tpu.memory_space<semaphore_mem>>) {add = true}
        %dma_wait3A = tpu.memref_slice %arg6[%mul3A_35] : memref<5120xi32, #tpu.memory_space<vmem>> -> memref<128xi32, #tpu.memory_space<vmem>>
        %dma_wait3A_38 = arith.constant 0 : i32
        %dma_wait3A_39 = tpu.memref_slice %arg5[%dma_wait3A_38] : memref<10240xf32, #tpu.memory_space<vmem_shared>> -> memref<10240xf32, #tpu.memory_space<vmem_shared>>
        tpu.wait_indirect_dma semaphore(%run_scoped3A : memref<!tpu.dma_semaphore, #tpu.memory_space<semaphore_mem>>) src(%arg7 : memref<128xf32, #tpu.memory_space<vmem>>) dst(%dma_wait3A_39 : memref<10240xf32, #tpu.memory_space<vmem_shared>>)
        tpu.yield
      }) : () -> ()
    }
    %scan3A_20 = arith.constant 40 : i32
    %barrier3A_21 = arith.constant 0 : index
    tpu.barrier barrier_id(%barrier3A_21)
    %eq3A = arith.constant 0 : i32
    %eq3A_22 = arith.cmpi eq, %arg0, %eq3A : i32
    %convert_element_type3A = arith.extui %eq3A_22 : i1 to i32
    %cond3A = arith.constant 0 : i32
    %cond3A_23 = arith.cmpi ne, %convert_element_type3A, %cond3A : i32
    scf.if %cond3A_23 {
      %mul3A_29 = arith.constant 640 : i32
      %mul3A_30 = arith.muli %arg1, %mul3A_29 : i32
      %mul3A_31 = arith.constant 640 : i32
      %mul3A_32 = arith.muli %arg1, %mul3A_31 : i32
      "tpu.region"() ({
        %run_scoped3A = tpu.sem_alloc : memref<!tpu.dma_semaphore, #tpu.memory_space<semaphore_mem>>
        %dma_start3A = tpu.memref_slice %arg3[%mul3A_32] : memref<10240xf32, #tpu.memory_space<hbm>> -> memref<640xf32, #tpu.memory_space<hbm>>
        %dma_start3A_33 = tpu.memref_slice %arg5[%mul3A_30] : memref<10240xf32, #tpu.memory_space<vmem_shared>> -> memref<640xf32, #tpu.memory_space<vmem_shared>>
        tpu.enqueue_dma source(%dma_start3A_33 : memref<640xf32, #tpu.memory_space<vmem_shared>>) target(%dma_start3A : memref<640xf32, #tpu.memory_space<hbm>>) target_semaphore(%run_scoped3A : memref<!tpu.dma_semaphore, #tpu.memory_space<semaphore_mem>>)
        %dma_wait3A = tpu.memref_slice %arg3[%mul3A_32] : memref<10240xf32, #tpu.memory_space<hbm>> -> memref<640xf32, #tpu.memory_space<hbm>>
        %dma_wait3A_34 = tpu.memref_slice %arg5[%mul3A_30] : memref<10240xf32, #tpu.memory_space<vmem_shared>> -> memref<640xf32, #tpu.memory_space<vmem_shared>>
        tpu.wait_dma2 semaphore(%run_scoped3A : memref<!tpu.dma_semaphore, #tpu.memory_space<semaphore_mem>>) src(%dma_wait3A_34 : memref<640xf32, #tpu.memory_space<vmem_shared>>) dst(%dma_wait3A : memref<640xf32, #tpu.memory_space<hbm>>)
        tpu.yield
      }) : () -> ()
    } else {
    }
    %eq3A_24 = arith.constant 1 : i32
    %eq3A_25 = arith.cmpi eq, %arg0, %eq3A_24 : i32
    %convert_element_type3A_26 = arith.extui %eq3A_25 : i1 to i32
    %cond3A_27 = arith.constant 0 : i32
    %cond3A_28 = arith.cmpi ne, %convert_element_type3A_26, %cond3A_27 : i32
    scf.if %cond3A_28 {
      %mul3A_29 = arith.constant 640 : i32
      %mul3A_30 = arith.muli %arg1, %mul3A_29 : i32
      %mul3A_31 = arith.constant 640 : i32
      %mul3A_32 = arith.muli %arg1, %mul3A_31 : i32
      "tpu.region"() ({
        %run_scoped3A = tpu.sem_alloc : memref<!tpu.dma_semaphore, #tpu.memory_space<semaphore_mem>>
        %dma_start3A = tpu.memref_slice %arg4[%mul3A_32] : memref<10240xf32, #tpu.memory_space<hbm>> -> memref<640xf32, #tpu.memory_space<hbm>>
        %dma_start3A_33 = tpu.memref_slice %arg5[%mul3A_30] : memref<10240xf32, #tpu.memory_space<vmem_shared>> -> memref<640xf32, #tpu.memory_space<vmem_shared>>
        tpu.enqueue_dma source(%dma_start3A_33 : memref<640xf32, #tpu.memory_space<vmem_shared>>) target(%dma_start3A : memref<640xf32, #tpu.memory_space<hbm>>) target_semaphore(%run_scoped3A : memref<!tpu.dma_semaphore, #tpu.memory_space<semaphore_mem>>)
        %dma_wait3A = tpu.memref_slice %arg4[%mul3A_32] : memref<10240xf32, #tpu.memory_space<hbm>> -> memref<640xf32, #tpu.memory_space<hbm>>
        %dma_wait3A_34 = tpu.memref_slice %arg5[%mul3A_30] : memref<10240xf32, #tpu.memory_space<vmem_shared>> -> memref<640xf32, #tpu.memory_space<vmem_shared>>
        tpu.wait_dma2 semaphore(%run_scoped3A : memref<!tpu.dma_semaphore, #tpu.memory_space<semaphore_mem>>) src(%dma_wait3A_34 : memref<640xf32, #tpu.memory_space<vmem_shared>>) dst(%dma_wait3A : memref<640xf32, #tpu.memory_space<hbm>>)
        tpu.yield
      }) : () -> ()
    } else {
    }
    return
  }
}

#map = affine_map<(d0, d1) -> (0, 0, 0)>
#map1 = affine_map<(d0, d1) -> (0)>
module attributes {stable_mosaic.version = 14 : i64} {
  func.func @k(%arg0: i32, %arg1: i32, %arg2: memref<2x10000x128xf32, #tpu.memory_space<hbm>>, %arg3: memref<163840xi32, #tpu.memory_space<hbm>>, %arg4: memref<163840xi32, #tpu.memory_space<hbm>>, %arg5: memref<2x10000x128xf32, #tpu.memory_space<hbm>>, %arg6: memref<10008x128xf32, #tpu.memory_space<vmem_shared>>, %arg7: memref<3x128xi32, #tpu.memory_space<vmem>>, %arg8: memref<3x128xi32, #tpu.memory_space<vmem>>, %arg9: memref<3x128x128xf32, #tpu.memory_space<vmem>>, %arg10: memref<!tpu.dma_semaphore, #tpu.memory_space<semaphore_mem>>, %arg11: memref<!tpu.dma_semaphore, #tpu.memory_space<semaphore_mem>>, %arg12: memref<!tpu.dma_semaphore, #tpu.memory_space<semaphore_mem>>, %arg13: memref<!tpu.dma_semaphore, #tpu.memory_space<semaphore_mem>>, %arg14: memref<!tpu.dma_semaphore, #tpu.memory_space<semaphore_mem>>, %arg15: memref<!tpu.dma_semaphore, #tpu.memory_space<semaphore_mem>>) attributes {dimension_semantics = [#tpu.dimension_semantics<core_parallel>, #tpu.dimension_semantics<subcore_parallel>], iteration_bounds = array<i64: 2, 16>, scalar_prefetch = 0 : i64, scratch_operands = 10 : i64, tpu.core_type = #tpu.core_type<sc_vector_subcore>, window_params = [{transform_indices = #map}, {transform_indices = #map1}, {transform_indices = #map1}, {transform_indices = #map}]} {
    %mul3A = arith.constant 624 : i32
    %mul3A_0 = arith.muli %arg1, %mul3A : i32
    %mul3A_1 = arith.constant 624 : i32
    %mul3A_2 = arith.muli %arg1, %mul3A_1 : i32
    "tpu.region"() ({
      %run_scoped3A = tpu.sem_alloc : memref<!tpu.dma_semaphore, #tpu.memory_space<semaphore_mem>>
      %dma_start3A = arith.constant 0 : i32
      %dma_start3A_36 = tpu.memref_slice %arg6[%mul3A_2, %dma_start3A] : memref<10008x128xf32, #tpu.memory_space<vmem_shared>> -> memref<624x128xf32, #tpu.memory_space<vmem_shared>>
      %dma_start3A_37 = arith.constant 0 : i32
      %dma_start3A_38 = arith.constant 0 : i32
      %dma_start3A_39 = tpu.memref_slice %arg2[%arg0, %dma_start3A_37, %dma_start3A_38] : memref<2x10000x128xf32, #tpu.memory_space<hbm>> -> memref<1x10000x128xf32, #tpu.memory_space<hbm>>
      %dma_start3A_40 = tpu.memref_squeeze %dma_start3A_39 : memref<1x10000x128xf32, #tpu.memory_space<hbm>> -> memref<10000x128xf32, #tpu.memory_space<hbm>>
      %dma_start3A_41 = arith.constant 0 : i32
      %dma_start3A_42 = tpu.memref_slice %dma_start3A_40[%mul3A_0, %dma_start3A_41] : memref<10000x128xf32, #tpu.memory_space<hbm>> -> memref<624x128xf32, #tpu.memory_space<hbm>>
      tpu.enqueue_dma source(%dma_start3A_42 : memref<624x128xf32, #tpu.memory_space<hbm>>) target(%dma_start3A_36 : memref<624x128xf32, #tpu.memory_space<vmem_shared>>) target_semaphore(%run_scoped3A : memref<!tpu.dma_semaphore, #tpu.memory_space<semaphore_mem>>)
      %dma_wait3A = arith.constant 0 : i32
      %dma_wait3A_43 = tpu.memref_slice %arg6[%mul3A_2, %dma_wait3A] : memref<10008x128xf32, #tpu.memory_space<vmem_shared>> -> memref<624x128xf32, #tpu.memory_space<vmem_shared>>
      %dma_wait3A_44 = arith.constant 0 : i32
      %dma_wait3A_45 = arith.constant 0 : i32
      %dma_wait3A_46 = tpu.memref_slice %arg2[%arg0, %dma_wait3A_44, %dma_wait3A_45] : memref<2x10000x128xf32, #tpu.memory_space<hbm>> -> memref<1x10000x128xf32, #tpu.memory_space<hbm>>
      %dma_wait3A_47 = tpu.memref_squeeze %dma_wait3A_46 : memref<1x10000x128xf32, #tpu.memory_space<hbm>> -> memref<10000x128xf32, #tpu.memory_space<hbm>>
      %dma_wait3A_48 = arith.constant 0 : i32
      %dma_wait3A_49 = tpu.memref_slice %dma_wait3A_47[%mul3A_0, %dma_wait3A_48] : memref<10000x128xf32, #tpu.memory_space<hbm>> -> memref<624x128xf32, #tpu.memory_space<hbm>>
      tpu.wait_dma2 semaphore(%run_scoped3A : memref<!tpu.dma_semaphore, #tpu.memory_space<semaphore_mem>>) src(%dma_wait3A_49 : memref<624x128xf32, #tpu.memory_space<hbm>>) dst(%dma_wait3A_43 : memref<624x128xf32, #tpu.memory_space<vmem_shared>>)
      tpu.yield
    }) : () -> ()
    %eq3A = arith.constant 15 : i32
    %eq3A_3 = arith.cmpi eq, %arg1, %eq3A : i32
    %convert_element_type3A = arith.extui %eq3A_3 : i1 to i32
    %cond3A = arith.constant 0 : i32
    %cond3A_4 = arith.cmpi ne, %convert_element_type3A, %cond3A : i32
    scf.if %cond3A_4 {
      "tpu.region"() ({
        %run_scoped3A = tpu.sem_alloc : memref<!tpu.dma_semaphore, #tpu.memory_space<semaphore_mem>>
        %dma_start3A = arith.constant 9984 : i32
        %dma_start3A_36 = arith.constant 0 : i32
        %dma_start3A_37 = tpu.memref_slice %arg6[%dma_start3A, %dma_start3A_36] : memref<10008x128xf32, #tpu.memory_space<vmem_shared>> -> memref<16x128xf32, #tpu.memory_space<vmem_shared>>
        %dma_start3A_38 = arith.constant 0 : i32
        %dma_start3A_39 = arith.constant 0 : i32
        %dma_start3A_40 = tpu.memref_slice %arg2[%arg0, %dma_start3A_38, %dma_start3A_39] : memref<2x10000x128xf32, #tpu.memory_space<hbm>> -> memref<1x10000x128xf32, #tpu.memory_space<hbm>>
        %dma_start3A_41 = tpu.memref_squeeze %dma_start3A_40 : memref<1x10000x128xf32, #tpu.memory_space<hbm>> -> memref<10000x128xf32, #tpu.memory_space<hbm>>
        %dma_start3A_42 = arith.constant 9984 : i32
        %dma_start3A_43 = arith.constant 0 : i32
        %dma_start3A_44 = tpu.memref_slice %dma_start3A_41[%dma_start3A_42, %dma_start3A_43] : memref<10000x128xf32, #tpu.memory_space<hbm>> -> memref<16x128xf32, #tpu.memory_space<hbm>>
        tpu.enqueue_dma source(%dma_start3A_44 : memref<16x128xf32, #tpu.memory_space<hbm>>) target(%dma_start3A_37 : memref<16x128xf32, #tpu.memory_space<vmem_shared>>) target_semaphore(%run_scoped3A : memref<!tpu.dma_semaphore, #tpu.memory_space<semaphore_mem>>)
        %dma_wait3A = arith.constant 9984 : i32
        %dma_wait3A_45 = arith.constant 0 : i32
        %dma_wait3A_46 = tpu.memref_slice %arg6[%dma_wait3A, %dma_wait3A_45] : memref<10008x128xf32, #tpu.memory_space<vmem_shared>> -> memref<16x128xf32, #tpu.memory_space<vmem_shared>>
        %dma_wait3A_47 = arith.constant 0 : i32
        %dma_wait3A_48 = arith.constant 0 : i32
        %dma_wait3A_49 = tpu.memref_slice %arg2[%arg0, %dma_wait3A_47, %dma_wait3A_48] : memref<2x10000x128xf32, #tpu.memory_space<hbm>> -> memref<1x10000x128xf32, #tpu.memory_space<hbm>>
        %dma_wait3A_50 = tpu.memref_squeeze %dma_wait3A_49 : memref<1x10000x128xf32, #tpu.memory_space<hbm>> -> memref<10000x128xf32, #tpu.memory_space<hbm>>
        %dma_wait3A_51 = arith.constant 9984 : i32
        %dma_wait3A_52 = arith.constant 0 : i32
        %dma_wait3A_53 = tpu.memref_slice %dma_wait3A_50[%dma_wait3A_51, %dma_wait3A_52] : memref<10000x128xf32, #tpu.memory_space<hbm>> -> memref<16x128xf32, #tpu.memory_space<hbm>>
        tpu.wait_dma2 semaphore(%run_scoped3A : memref<!tpu.dma_semaphore, #tpu.memory_space<semaphore_mem>>) src(%dma_wait3A_53 : memref<16x128xf32, #tpu.memory_space<hbm>>) dst(%dma_wait3A_46 : memref<16x128xf32, #tpu.memory_space<vmem_shared>>)
        tpu.yield
      }) : () -> ()
    } else {
    }
    %barrier3A = arith.constant 0 : index
    tpu.barrier barrier_id(%barrier3A)
    %scan3A = arith.constant 0 : i32
    %scan3A_5 = arith.constant 28 : i32
    %scan3A_6 = arith.addi %scan3A, %scan3A_5 : i32
    %scan3A_7 = arith.constant 1 : i32
    scf.for %scan3A_36 = %scan3A to %scan3A_6 step %scan3A_7  : i32 {
      %mul3A_37 = arith.constant 3 : i32
      %mul3A_38 = arith.muli %scan3A_36, %mul3A_37 : i32
      %add3A = arith.constant 0 : i32
      %add3A_39 = arith.addi %add3A, %mul3A_38 : i32
      %add3A_40 = arith.constant 0 : i32
      %add3A_41 = arith.addi %add3A_39, %add3A_40 : i32
      %sub3A = arith.constant 3 : i32
      %sub3A_42 = arith.subi %add3A_41, %sub3A : i32
      %ge3A = arith.constant 0 : i32
      %ge3A_43 = arith.cmpi sge, %sub3A_42, %ge3A : i32
      %lt3A = arith.constant 80 : i32
      %lt3A_44 = arith.cmpi slt, %sub3A_42, %lt3A : i32
      %and3A_45 = arith.andi %ge3A_43, %lt3A_44 : i1
      %convert_element_type3A_46 = arith.extui %and3A_45 : i1 to i32
      %cond3A_47 = arith.constant 0 : i32
      %cond3A_48 = arith.cmpi ne, %convert_element_type3A_46, %cond3A_47 : i32
      scf.if %cond3A_48 {
        %dma_wait3A = arith.constant 0 : i32
        %dma_wait3A_118 = arith.constant 0 : i32
        %dma_wait3A_119 = arith.constant 0 : i32
        %dma_wait3A_120 = arith.constant 0 : i32
        %dma_wait3A_121 = tpu.memref_slice %arg9[%dma_wait3A, %dma_wait3A_119, %dma_wait3A_120] : memref<3x128x128xf32, #tpu.memory_space<vmem>> -> memref<1x128x128xf32, #tpu.memory_space<vmem>>
        %dma_wait3A_122 = tpu.memref_squeeze %dma_wait3A_121 : memref<1x128x128xf32, #tpu.memory_space<vmem>> -> memref<128x128xf32, #tpu.memory_space<vmem>>
        %dma_wait3A_123 = arith.constant 0 : i32
        %dma_wait3A_124 = tpu.memref_slice %arg8[%dma_wait3A_118, %dma_wait3A_123] : memref<3x128xi32, #tpu.memory_space<vmem>> -> memref<1x128xi32, #tpu.memory_space<vmem>>
        %dma_wait3A_125 = tpu.memref_squeeze %dma_wait3A_124 : memref<1x128xi32, #tpu.memory_space<vmem>> -> memref<128xi32, #tpu.memory_space<vmem>>
        %dma_wait3A_126 = arith.constant 0 : i32
        %dma_wait3A_127 = arith.constant 0 : i32
        %dma_wait3A_128 = tpu.memref_slice %arg6[%dma_wait3A_126, %dma_wait3A_127] : memref<10008x128xf32, #tpu.memory_space<vmem_shared>> -> memref<10008x128xf32, #tpu.memory_space<vmem_shared>>
        tpu.wait_indirect_dma semaphore(%arg13 : memref<!tpu.dma_semaphore, #tpu.memory_space<semaphore_mem>>) src(%dma_wait3A_122 : memref<128x128xf32, #tpu.memory_space<vmem>>) dst(%dma_wait3A_128 : memref<10008x128xf32, #tpu.memory_space<vmem_shared>>)
      } else {
      }
      %lt3A_49 = arith.constant 80 : i32
      %lt3A_50 = arith.cmpi slt, %add3A_41, %lt3A_49 : i32
      %convert_element_type3A_51 = arith.extui %lt3A_50 : i1 to i32
      %cond3A_52 = arith.constant 0 : i32
      %cond3A_53 = arith.cmpi ne, %convert_element_type3A_51, %cond3A_52 : i32
      scf.if %cond3A_53 {
        %mul3A_118 = arith.constant 16 : i32
        %mul3A_119 = arith.muli %add3A_41, %mul3A_118 : i32
        %add3A_120 = arith.addi %mul3A_119, %arg1 : i32
        %mul3A_121 = arith.constant 128 : i32
        %mul3A_122 = arith.muli %add3A_120, %mul3A_121 : i32
        %run_scoped3A = arith.constant 0 : i32
        "tpu.region"() ({
          %run_scoped3A_139 = tpu.sem_alloc : memref<!tpu.dma_semaphore, #tpu.memory_space<semaphore_mem>>
          %dma_start3A_140 = arith.constant 0 : i32
          %dma_start3A_141 = tpu.memref_slice %arg7[%run_scoped3A, %dma_start3A_140] : memref<3x128xi32, #tpu.memory_space<vmem>> -> memref<1x128xi32, #tpu.memory_space<vmem>>
          %dma_start3A_142 = tpu.memref_squeeze %dma_start3A_141 : memref<1x128xi32, #tpu.memory_space<vmem>> -> memref<128xi32, #tpu.memory_space<vmem>>
          %dma_start3A_143 = tpu.memref_slice %arg3[%mul3A_122] : memref<163840xi32, #tpu.memory_space<hbm>> -> memref<128xi32, #tpu.memory_space<hbm>>
          %dma_start3A_144 = arith.constant 0 : i32
          %dma_start3A_145 = tpu.memref_slice %arg7[%run_scoped3A, %dma_start3A_144] : memref<3x128xi32, #tpu.memory_space<vmem>> -> memref<1x128xi32, #tpu.memory_space<vmem>>
          %dma_start3A_146 = tpu.memref_squeeze %dma_start3A_145 : memref<1x128xi32, #tpu.memory_space<vmem>> -> memref<128xi32, #tpu.memory_space<vmem>>
          %dma_start3A_147 = tpu.memref_slice %arg3[%mul3A_122] : memref<163840xi32, #tpu.memory_space<hbm>> -> memref<128xi32, #tpu.memory_space<hbm>>
          tpu.enqueue_dma source(%dma_start3A_147 : memref<128xi32, #tpu.memory_space<hbm>>) target(%dma_start3A_146 : memref<128xi32, #tpu.memory_space<vmem>>) target_semaphore(%run_scoped3A_139 : memref<!tpu.dma_semaphore, #tpu.memory_space<semaphore_mem>>)
          %dma_wait3A = arith.constant 0 : i32
          %dma_wait3A_148 = tpu.memref_slice %arg7[%run_scoped3A, %dma_wait3A] : memref<3x128xi32, #tpu.memory_space<vmem>> -> memref<1x128xi32, #tpu.memory_space<vmem>>
          %dma_wait3A_149 = tpu.memref_squeeze %dma_wait3A_148 : memref<1x128xi32, #tpu.memory_space<vmem>> -> memref<128xi32, #tpu.memory_space<vmem>>
          %dma_wait3A_150 = tpu.memref_slice %arg3[%mul3A_122] : memref<163840xi32, #tpu.memory_space<hbm>> -> memref<128xi32, #tpu.memory_space<hbm>>
          %dma_wait3A_151 = arith.constant 0 : i32
          %dma_wait3A_152 = tpu.memref_slice %arg7[%run_scoped3A, %dma_wait3A_151] : memref<3x128xi32, #tpu.memory_space<vmem>> -> memref<1x128xi32, #tpu.memory_space<vmem>>
          %dma_wait3A_153 = tpu.memref_squeeze %dma_wait3A_152 : memref<1x128xi32, #tpu.memory_space<vmem>> -> memref<128xi32, #tpu.memory_space<vmem>>
          %dma_wait3A_154 = tpu.memref_slice %arg3[%mul3A_122] : memref<163840xi32, #tpu.memory_space<hbm>> -> memref<128xi32, #tpu.memory_space<hbm>>
          tpu.wait_dma2 semaphore(%run_scoped3A_139 : memref<!tpu.dma_semaphore, #tpu.memory_space<semaphore_mem>>) src(%dma_wait3A_154 : memref<128xi32, #tpu.memory_space<hbm>>) dst(%dma_wait3A_153 : memref<128xi32, #tpu.memory_space<vmem>>)
          tpu.yield
        }) : () -> ()
        %dma_start3A = arith.constant 0 : i32
        %dma_start3A_123 = arith.constant 0 : i32
        %dma_start3A_124 = arith.constant 0 : i32
        %dma_start3A_125 = arith.constant 0 : i32
        %dma_start3A_126 = tpu.memref_slice %arg9[%dma_start3A_123, %dma_start3A_124, %dma_start3A_125] : memref<3x128x128xf32, #tpu.memory_space<vmem>> -> memref<1x128x128xf32, #tpu.memory_space<vmem>>
        %dma_start3A_127 = tpu.memref_squeeze %dma_start3A_126 : memref<1x128x128xf32, #tpu.memory_space<vmem>> -> memref<128x128xf32, #tpu.memory_space<vmem>>
        %dma_start3A_128 = arith.constant 0 : i32
        %dma_start3A_129 = tpu.memref_slice %arg7[%dma_start3A, %dma_start3A_128] : memref<3x128xi32, #tpu.memory_space<vmem>> -> memref<1x128xi32, #tpu.memory_space<vmem>>
        %dma_start3A_130 = tpu.memref_squeeze %dma_start3A_129 : memref<1x128xi32, #tpu.memory_space<vmem>> -> memref<128xi32, #tpu.memory_space<vmem>>
        %dma_start3A_131 = arith.constant 0 : i32
        %dma_start3A_132 = arith.constant 0 : i32
        %dma_start3A_133 = tpu.memref_slice %arg2[%arg0, %dma_start3A_131, %dma_start3A_132] : memref<2x10000x128xf32, #tpu.memory_space<hbm>> -> memref<1x10000x128xf32, #tpu.memory_space<hbm>>
        %dma_start3A_134 = tpu.memref_squeeze %dma_start3A_133 : memref<1x10000x128xf32, #tpu.memory_space<hbm>> -> memref<10000x128xf32, #tpu.memory_space<hbm>>
        %dma_start3A_135 = arith.constant 0 : i32
        %dma_start3A_136 = arith.constant 0 : i32
        %dma_start3A_137 = tpu.memref_slice %dma_start3A_134[%dma_start3A_135, %dma_start3A_136] : memref<10000x128xf32, #tpu.memory_space<hbm>> -> memref<10000x128xf32, #tpu.memory_space<hbm>>
        tpu.enqueue_indirect_dma source(%dma_start3A_137 : memref<10000x128xf32, #tpu.memory_space<hbm>>) target(%dma_start3A_127 : memref<128x128xf32, #tpu.memory_space<vmem>>) offsets(%dma_start3A_130 : memref<128xi32, #tpu.memory_space<vmem>>) semaphore(%arg10 : memref<!tpu.dma_semaphore, #tpu.memory_space<semaphore_mem>>)
        %run_scoped3A_138 = arith.constant 0 : i32
        "tpu.region"() ({
          %run_scoped3A_139 = tpu.sem_alloc : memref<!tpu.dma_semaphore, #tpu.memory_space<semaphore_mem>>
          %dma_start3A_140 = arith.constant 0 : i32
          %dma_start3A_141 = tpu.memref_slice %arg8[%run_scoped3A_138, %dma_start3A_140] : memref<3x128xi32, #tpu.memory_space<vmem>> -> memref<1x128xi32, #tpu.memory_space<vmem>>
          %dma_start3A_142 = tpu.memref_squeeze %dma_start3A_141 : memref<1x128xi32, #tpu.memory_space<vmem>> -> memref<128xi32, #tpu.memory_space<vmem>>
          %dma_start3A_143 = tpu.memref_slice %arg4[%mul3A_122] : memref<163840xi32, #tpu.memory_space<hbm>> -> memref<128xi32, #tpu.memory_space<hbm>>
          %dma_start3A_144 = arith.constant 0 : i32
          %dma_start3A_145 = tpu.memref_slice %arg8[%run_scoped3A_138, %dma_start3A_144] : memref<3x128xi32, #tpu.memory_space<vmem>> -> memref<1x128xi32, #tpu.memory_space<vmem>>
          %dma_start3A_146 = tpu.memref_squeeze %dma_start3A_145 : memref<1x128xi32, #tpu.memory_space<vmem>> -> memref<128xi32, #tpu.memory_space<vmem>>
          %dma_start3A_147 = tpu.memref_slice %arg4[%mul3A_122] : memref<163840xi32, #tpu.memory_space<hbm>> -> memref<128xi32, #tpu.memory_space<hbm>>
          tpu.enqueue_dma source(%dma_start3A_147 : memref<128xi32, #tpu.memory_space<hbm>>) target(%dma_start3A_146 : memref<128xi32, #tpu.memory_space<vmem>>) target_semaphore(%run_scoped3A_139 : memref<!tpu.dma_semaphore, #tpu.memory_space<semaphore_mem>>)
          %dma_wait3A = arith.constant 0 : i32
          %dma_wait3A_148 = tpu.memref_slice %arg8[%run_scoped3A_138, %dma_wait3A] : memref<3x128xi32, #tpu.memory_space<vmem>> -> memref<1x128xi32, #tpu.memory_space<vmem>>
          %dma_wait3A_149 = tpu.memref_squeeze %dma_wait3A_148 : memref<1x128xi32, #tpu.memory_space<vmem>> -> memref<128xi32, #tpu.memory_space<vmem>>
          %dma_wait3A_150 = tpu.memref_slice %arg4[%mul3A_122] : memref<163840xi32, #tpu.memory_space<hbm>> -> memref<128xi32, #tpu.memory_space<hbm>>
          %dma_wait3A_151 = arith.constant 0 : i32
          %dma_wait3A_152 = tpu.memref_slice %arg8[%run_scoped3A_138, %dma_wait3A_151] : memref<3x128xi32, #tpu.memory_space<vmem>> -> memref<1x128xi32, #tpu.memory_space<vmem>>
          %dma_wait3A_153 = tpu.memref_squeeze %dma_wait3A_152 : memref<1x128xi32, #tpu.memory_space<vmem>> -> memref<128xi32, #tpu.memory_space<vmem>>
          %dma_wait3A_154 = tpu.memref_slice %arg4[%mul3A_122] : memref<163840xi32, #tpu.memory_space<hbm>> -> memref<128xi32, #tpu.memory_space<hbm>>
          tpu.wait_dma2 semaphore(%run_scoped3A_139 : memref<!tpu.dma_semaphore, #tpu.memory_space<semaphore_mem>>) src(%dma_wait3A_154 : memref<128xi32, #tpu.memory_space<hbm>>) dst(%dma_wait3A_153 : memref<128xi32, #tpu.memory_space<vmem>>)
          tpu.yield
        }) : () -> ()
      } else {
      }
      %sub3A_54 = arith.constant 2 : i32
      %sub3A_55 = arith.subi %add3A_41, %sub3A_54 : i32
      %ge3A_56 = arith.constant 0 : i32
      %ge3A_57 = arith.cmpi sge, %sub3A_55, %ge3A_56 : i32
      %lt3A_58 = arith.constant 80 : i32
      %lt3A_59 = arith.cmpi slt, %sub3A_55, %lt3A_58 : i32
      %and3A_60 = arith.andi %ge3A_57, %lt3A_59 : i1
      %convert_element_type3A_61 = arith.extui %and3A_60 : i1 to i32
      %cond3A_62 = arith.constant 0 : i32
      %cond3A_63 = arith.cmpi ne, %convert_element_type3A_61, %cond3A_62 : i32
      scf.if %cond3A_63 {
        %dma_wait3A = arith.constant 1 : i32
        %dma_wait3A_118 = arith.constant 1 : i32
        %dma_wait3A_119 = arith.constant 0 : i32
        %dma_wait3A_120 = arith.constant 0 : i32
        %dma_wait3A_121 = tpu.memref_slice %arg9[%dma_wait3A_118, %dma_wait3A_119, %dma_wait3A_120] : memref<3x128x128xf32, #tpu.memory_space<vmem>> -> memref<1x128x128xf32, #tpu.memory_space<vmem>>
        %dma_wait3A_122 = tpu.memref_squeeze %dma_wait3A_121 : memref<1x128x128xf32, #tpu.memory_space<vmem>> -> memref<128x128xf32, #tpu.memory_space<vmem>>
        %dma_wait3A_123 = arith.constant 0 : i32
        %dma_wait3A_124 = tpu.memref_slice %arg7[%dma_wait3A, %dma_wait3A_123] : memref<3x128xi32, #tpu.memory_space<vmem>> -> memref<1x128xi32, #tpu.memory_space<vmem>>
        %dma_wait3A_125 = tpu.memref_squeeze %dma_wait3A_124 : memref<1x128xi32, #tpu.memory_space<vmem>> -> memref<128xi32, #tpu.memory_space<vmem>>
        %dma_wait3A_126 = arith.constant 0 : i32
        %dma_wait3A_127 = arith.constant 0 : i32
        %dma_wait3A_128 = tpu.memref_slice %arg2[%arg0, %dma_wait3A_126, %dma_wait3A_127] : memref<2x10000x128xf32, #tpu.memory_space<hbm>> -> memref<1x10000x128xf32, #tpu.memory_space<hbm>>
        %dma_wait3A_129 = tpu.memref_squeeze %dma_wait3A_128 : memref<1x10000x128xf32, #tpu.memory_space<hbm>> -> memref<10000x128xf32, #tpu.memory_space<hbm>>
        %dma_wait3A_130 = arith.constant 0 : i32
        %dma_wait3A_131 = arith.constant 0 : i32
        %dma_wait3A_132 = tpu.memref_slice %dma_wait3A_129[%dma_wait3A_130, %dma_wait3A_131] : memref<10000x128xf32, #tpu.memory_space<hbm>> -> memref<10000x128xf32, #tpu.memory_space<hbm>>
        tpu.wait_indirect_dma semaphore(%arg11 : memref<!tpu.dma_semaphore, #tpu.memory_space<semaphore_mem>>) src(%dma_wait3A_132 : memref<10000x128xf32, #tpu.memory_space<hbm>>) dst(%dma_wait3A_122 : memref<128x128xf32, #tpu.memory_space<vmem>>)
        %dma_start3A = arith.constant 1 : i32
        %dma_start3A_133 = arith.constant 1 : i32
        %dma_start3A_134 = arith.constant 0 : i32
        %dma_start3A_135 = arith.constant 0 : i32
        %dma_start3A_136 = tpu.memref_slice %arg9[%dma_start3A, %dma_start3A_134, %dma_start3A_135] : memref<3x128x128xf32, #tpu.memory_space<vmem>> -> memref<1x128x128xf32, #tpu.memory_space<vmem>>
        %dma_start3A_137 = tpu.memref_squeeze %dma_start3A_136 : memref<1x128x128xf32, #tpu.memory_space<vmem>> -> memref<128x128xf32, #tpu.memory_space<vmem>>
        %dma_start3A_138 = arith.constant 0 : i32
        %dma_start3A_139 = tpu.memref_slice %arg8[%dma_start3A_133, %dma_start3A_138] : memref<3x128xi32, #tpu.memory_space<vmem>> -> memref<1x128xi32, #tpu.memory_space<vmem>>
        %dma_start3A_140 = tpu.memref_squeeze %dma_start3A_139 : memref<1x128xi32, #tpu.memory_space<vmem>> -> memref<128xi32, #tpu.memory_space<vmem>>
        %dma_start3A_141 = arith.constant 0 : i32
        %dma_start3A_142 = arith.constant 0 : i32
        %dma_start3A_143 = tpu.memref_slice %arg6[%dma_start3A_141, %dma_start3A_142] : memref<10008x128xf32, #tpu.memory_space<vmem_shared>> -> memref<10008x128xf32, #tpu.memory_space<vmem_shared>>
        tpu.enqueue_indirect_dma source(%dma_start3A_137 : memref<128x128xf32, #tpu.memory_space<vmem>>) target(%dma_start3A_143 : memref<10008x128xf32, #tpu.memory_space<vmem_shared>>) offsets(%dma_start3A_140 : memref<128xi32, #tpu.memory_space<vmem>>) semaphore(%arg14 : memref<!tpu.dma_semaphore, #tpu.memory_space<semaphore_mem>>) {add = true}
      } else {
      }
      %add3A_64 = arith.constant 1 : i32
      %add3A_65 = arith.addi %add3A_39, %add3A_64 : i32
      %sub3A_66 = arith.constant 3 : i32
      %sub3A_67 = arith.subi %add3A_65, %sub3A_66 : i32
      %ge3A_68 = arith.constant 0 : i32
      %ge3A_69 = arith.cmpi sge, %sub3A_67, %ge3A_68 : i32
      %lt3A_70 = arith.constant 80 : i32
      %lt3A_71 = arith.cmpi slt, %sub3A_67, %lt3A_70 : i32
      %and3A_72 = arith.andi %ge3A_69, %lt3A_71 : i1
      %convert_element_type3A_73 = arith.extui %and3A_72 : i1 to i32
      %cond3A_74 = arith.constant 0 : i32
      %cond3A_75 = arith.cmpi ne, %convert_element_type3A_73, %cond3A_74 : i32
      scf.if %cond3A_75 {
        %dma_wait3A = arith.constant 1 : i32
        %dma_wait3A_118 = arith.constant 1 : i32
        %dma_wait3A_119 = arith.constant 0 : i32
        %dma_wait3A_120 = arith.constant 0 : i32
        %dma_wait3A_121 = tpu.memref_slice %arg9[%dma_wait3A, %dma_wait3A_119, %dma_wait3A_120] : memref<3x128x128xf32, #tpu.memory_space<vmem>> -> memref<1x128x128xf32, #tpu.memory_space<vmem>>
        %dma_wait3A_122 = tpu.memref_squeeze %dma_wait3A_121 : memref<1x128x128xf32, #tpu.memory_space<vmem>> -> memref<128x128xf32, #tpu.memory_space<vmem>>
        %dma_wait3A_123 = arith.constant 0 : i32
        %dma_wait3A_124 = tpu.memref_slice %arg8[%dma_wait3A_118, %dma_wait3A_123] : memref<3x128xi32, #tpu.memory_space<vmem>> -> memref<1x128xi32, #tpu.memory_space<vmem>>
        %dma_wait3A_125 = tpu.memref_squeeze %dma_wait3A_124 : memref<1x128xi32, #tpu.memory_space<vmem>> -> memref<128xi32, #tpu.memory_space<vmem>>
        %dma_wait3A_126 = arith.constant 0 : i32
        %dma_wait3A_127 = arith.constant 0 : i32
        %dma_wait3A_128 = tpu.memref_slice %arg6[%dma_wait3A_126, %dma_wait3A_127] : memref<10008x128xf32, #tpu.memory_space<vmem_shared>> -> memref<10008x128xf32, #tpu.memory_space<vmem_shared>>
        tpu.wait_indirect_dma semaphore(%arg14 : memref<!tpu.dma_semaphore, #tpu.memory_space<semaphore_mem>>) src(%dma_wait3A_122 : memref<128x128xf32, #tpu.memory_space<vmem>>) dst(%dma_wait3A_128 : memref<10008x128xf32, #tpu.memory_space<vmem_shared>>)
      } else {
      }
      %lt3A_76 = arith.constant 80 : i32
      %lt3A_77 = arith.cmpi slt, %add3A_65, %lt3A_76 : i32
      %convert_element_type3A_78 = arith.extui %lt3A_77 : i1 to i32
      %cond3A_79 = arith.constant 0 : i32
      %cond3A_80 = arith.cmpi ne, %convert_element_type3A_78, %cond3A_79 : i32
      scf.if %cond3A_80 {
        %mul3A_118 = arith.constant 16 : i32
        %mul3A_119 = arith.muli %add3A_65, %mul3A_118 : i32
        %add3A_120 = arith.addi %mul3A_119, %arg1 : i32
        %mul3A_121 = arith.constant 128 : i32
        %mul3A_122 = arith.muli %add3A_120, %mul3A_121 : i32
        %run_scoped3A = arith.constant 1 : i32
        "tpu.region"() ({
          %run_scoped3A_139 = tpu.sem_alloc : memref<!tpu.dma_semaphore, #tpu.memory_space<semaphore_mem>>
          %dma_start3A_140 = arith.constant 0 : i32
          %dma_start3A_141 = tpu.memref_slice %arg7[%run_scoped3A, %dma_start3A_140] : memref<3x128xi32, #tpu.memory_space<vmem>> -> memref<1x128xi32, #tpu.memory_space<vmem>>
          %dma_start3A_142 = tpu.memref_squeeze %dma_start3A_141 : memref<1x128xi32, #tpu.memory_space<vmem>> -> memref<128xi32, #tpu.memory_space<vmem>>
          %dma_start3A_143 = tpu.memref_slice %arg3[%mul3A_122] : memref<163840xi32, #tpu.memory_space<hbm>> -> memref<128xi32, #tpu.memory_space<hbm>>
          %dma_start3A_144 = arith.constant 0 : i32
          %dma_start3A_145 = tpu.memref_slice %arg7[%run_scoped3A, %dma_start3A_144] : memref<3x128xi32, #tpu.memory_space<vmem>> -> memref<1x128xi32, #tpu.memory_space<vmem>>
          %dma_start3A_146 = tpu.memref_squeeze %dma_start3A_145 : memref<1x128xi32, #tpu.memory_space<vmem>> -> memref<128xi32, #tpu.memory_space<vmem>>
          %dma_start3A_147 = tpu.memref_slice %arg3[%mul3A_122] : memref<163840xi32, #tpu.memory_space<hbm>> -> memref<128xi32, #tpu.memory_space<hbm>>
          tpu.enqueue_dma source(%dma_start3A_147 : memref<128xi32, #tpu.memory_space<hbm>>) target(%dma_start3A_146 : memref<128xi32, #tpu.memory_space<vmem>>) target_semaphore(%run_scoped3A_139 : memref<!tpu.dma_semaphore, #tpu.memory_space<semaphore_mem>>)
          %dma_wait3A = arith.constant 0 : i32
          %dma_wait3A_148 = tpu.memref_slice %arg7[%run_scoped3A, %dma_wait3A] : memref<3x128xi32, #tpu.memory_space<vmem>> -> memref<1x128xi32, #tpu.memory_space<vmem>>
          %dma_wait3A_149 = tpu.memref_squeeze %dma_wait3A_148 : memref<1x128xi32, #tpu.memory_space<vmem>> -> memref<128xi32, #tpu.memory_space<vmem>>
          %dma_wait3A_150 = tpu.memref_slice %arg3[%mul3A_122] : memref<163840xi32, #tpu.memory_space<hbm>> -> memref<128xi32, #tpu.memory_space<hbm>>
          %dma_wait3A_151 = arith.constant 0 : i32
          %dma_wait3A_152 = tpu.memref_slice %arg7[%run_scoped3A, %dma_wait3A_151] : memref<3x128xi32, #tpu.memory_space<vmem>> -> memref<1x128xi32, #tpu.memory_space<vmem>>
          %dma_wait3A_153 = tpu.memref_squeeze %dma_wait3A_152 : memref<1x128xi32, #tpu.memory_space<vmem>> -> memref<128xi32, #tpu.memory_space<vmem>>
          %dma_wait3A_154 = tpu.memref_slice %arg3[%mul3A_122] : memref<163840xi32, #tpu.memory_space<hbm>> -> memref<128xi32, #tpu.memory_space<hbm>>
          tpu.wait_dma2 semaphore(%run_scoped3A_139 : memref<!tpu.dma_semaphore, #tpu.memory_space<semaphore_mem>>) src(%dma_wait3A_154 : memref<128xi32, #tpu.memory_space<hbm>>) dst(%dma_wait3A_153 : memref<128xi32, #tpu.memory_space<vmem>>)
          tpu.yield
        }) : () -> ()
        %dma_start3A = arith.constant 1 : i32
        %dma_start3A_123 = arith.constant 1 : i32
        %dma_start3A_124 = arith.constant 0 : i32
        %dma_start3A_125 = arith.constant 0 : i32
        %dma_start3A_126 = tpu.memref_slice %arg9[%dma_start3A_123, %dma_start3A_124, %dma_start3A_125] : memref<3x128x128xf32, #tpu.memory_space<vmem>> -> memref<1x128x128xf32, #tpu.memory_space<vmem>>
        %dma_start3A_127 = tpu.memref_squeeze %dma_start3A_126 : memref<1x128x128xf32, #tpu.memory_space<vmem>> -> memref<128x128xf32, #tpu.memory_space<vmem>>
        %dma_start3A_128 = arith.constant 0 : i32
        %dma_start3A_129 = tpu.memref_slice %arg7[%dma_start3A, %dma_start3A_128] : memref<3x128xi32, #tpu.memory_space<vmem>> -> memref<1x128xi32, #tpu.memory_space<vmem>>
        %dma_start3A_130 = tpu.memref_squeeze %dma_start3A_129 : memref<1x128xi32, #tpu.memory_space<vmem>> -> memref<128xi32, #tpu.memory_space<vmem>>
        %dma_start3A_131 = arith.constant 0 : i32
        %dma_start3A_132 = arith.constant 0 : i32
        %dma_start3A_133 = tpu.memref_slice %arg2[%arg0, %dma_start3A_131, %dma_start3A_132] : memref<2x10000x128xf32, #tpu.memory_space<hbm>> -> memref<1x10000x128xf32, #tpu.memory_space<hbm>>
        %dma_start3A_134 = tpu.memref_squeeze %dma_start3A_133 : memref<1x10000x128xf32, #tpu.memory_space<hbm>> -> memref<10000x128xf32, #tpu.memory_space<hbm>>
        %dma_start3A_135 = arith.constant 0 : i32
        %dma_start3A_136 = arith.constant 0 : i32
        %dma_start3A_137 = tpu.memref_slice %dma_start3A_134[%dma_start3A_135, %dma_start3A_136] : memref<10000x128xf32, #tpu.memory_space<hbm>> -> memref<10000x128xf32, #tpu.memory_space<hbm>>
        tpu.enqueue_indirect_dma source(%dma_start3A_137 : memref<10000x128xf32, #tpu.memory_space<hbm>>) target(%dma_start3A_127 : memref<128x128xf32, #tpu.memory_space<vmem>>) offsets(%dma_start3A_130 : memref<128xi32, #tpu.memory_space<vmem>>) semaphore(%arg11 : memref<!tpu.dma_semaphore, #tpu.memory_space<semaphore_mem>>)
        %run_scoped3A_138 = arith.constant 1 : i32
        "tpu.region"() ({
          %run_scoped3A_139 = tpu.sem_alloc : memref<!tpu.dma_semaphore, #tpu.memory_space<semaphore_mem>>
          %dma_start3A_140 = arith.constant 0 : i32
          %dma_start3A_141 = tpu.memref_slice %arg8[%run_scoped3A_138, %dma_start3A_140] : memref<3x128xi32, #tpu.memory_space<vmem>> -> memref<1x128xi32, #tpu.memory_space<vmem>>
          %dma_start3A_142 = tpu.memref_squeeze %dma_start3A_141 : memref<1x128xi32, #tpu.memory_space<vmem>> -> memref<128xi32, #tpu.memory_space<vmem>>
          %dma_start3A_143 = tpu.memref_slice %arg4[%mul3A_122] : memref<163840xi32, #tpu.memory_space<hbm>> -> memref<128xi32, #tpu.memory_space<hbm>>
          %dma_start3A_144 = arith.constant 0 : i32
          %dma_start3A_145 = tpu.memref_slice %arg8[%run_scoped3A_138, %dma_start3A_144] : memref<3x128xi32, #tpu.memory_space<vmem>> -> memref<1x128xi32, #tpu.memory_space<vmem>>
          %dma_start3A_146 = tpu.memref_squeeze %dma_start3A_145 : memref<1x128xi32, #tpu.memory_space<vmem>> -> memref<128xi32, #tpu.memory_space<vmem>>
          %dma_start3A_147 = tpu.memref_slice %arg4[%mul3A_122] : memref<163840xi32, #tpu.memory_space<hbm>> -> memref<128xi32, #tpu.memory_space<hbm>>
          tpu.enqueue_dma source(%dma_start3A_147 : memref<128xi32, #tpu.memory_space<hbm>>) target(%dma_start3A_146 : memref<128xi32, #tpu.memory_space<vmem>>) target_semaphore(%run_scoped3A_139 : memref<!tpu.dma_semaphore, #tpu.memory_space<semaphore_mem>>)
          %dma_wait3A = arith.constant 0 : i32
          %dma_wait3A_148 = tpu.memref_slice %arg8[%run_scoped3A_138, %dma_wait3A] : memref<3x128xi32, #tpu.memory_space<vmem>> -> memref<1x128xi32, #tpu.memory_space<vmem>>
          %dma_wait3A_149 = tpu.memref_squeeze %dma_wait3A_148 : memref<1x128xi32, #tpu.memory_space<vmem>> -> memref<128xi32, #tpu.memory_space<vmem>>
          %dma_wait3A_150 = tpu.memref_slice %arg4[%mul3A_122] : memref<163840xi32, #tpu.memory_space<hbm>> -> memref<128xi32, #tpu.memory_space<hbm>>
          %dma_wait3A_151 = arith.constant 0 : i32
          %dma_wait3A_152 = tpu.memref_slice %arg8[%run_scoped3A_138, %dma_wait3A_151] : memref<3x128xi32, #tpu.memory_space<vmem>> -> memref<1x128xi32, #tpu.memory_space<vmem>>
          %dma_wait3A_153 = tpu.memref_squeeze %dma_wait3A_152 : memref<1x128xi32, #tpu.memory_space<vmem>> -> memref<128xi32, #tpu.memory_space<vmem>>
          %dma_wait3A_154 = tpu.memref_slice %arg4[%mul3A_122] : memref<163840xi32, #tpu.memory_space<hbm>> -> memref<128xi32, #tpu.memory_space<hbm>>
          tpu.wait_dma2 semaphore(%run_scoped3A_139 : memref<!tpu.dma_semaphore, #tpu.memory_space<semaphore_mem>>) src(%dma_wait3A_154 : memref<128xi32, #tpu.memory_space<hbm>>) dst(%dma_wait3A_153 : memref<128xi32, #tpu.memory_space<vmem>>)
          tpu.yield
        }) : () -> ()
      } else {
      }
      %sub3A_81 = arith.constant 2 : i32
      %sub3A_82 = arith.subi %add3A_65, %sub3A_81 : i32
      %ge3A_83 = arith.constant 0 : i32
      %ge3A_84 = arith.cmpi sge, %sub3A_82, %ge3A_83 : i32
      %lt3A_85 = arith.constant 80 : i32
      %lt3A_86 = arith.cmpi slt, %sub3A_82, %lt3A_85 : i32
      %and3A_87 = arith.andi %ge3A_84, %lt3A_86 : i1
      %convert_element_type3A_88 = arith.extui %and3A_87 : i1 to i32
      %cond3A_89 = arith.constant 0 : i32
      %cond3A_90 = arith.cmpi ne, %convert_element_type3A_88, %cond3A_89 : i32
      scf.if %cond3A_90 {
        %dma_wait3A = arith.constant 2 : i32
        %dma_wait3A_118 = arith.constant 2 : i32
        %dma_wait3A_119 = arith.constant 0 : i32
        %dma_wait3A_120 = arith.constant 0 : i32
        %dma_wait3A_121 = tpu.memref_slice %arg9[%dma_wait3A_118, %dma_wait3A_119, %dma_wait3A_120] : memref<3x128x128xf32, #tpu.memory_space<vmem>> -> memref<1x128x128xf32, #tpu.memory_space<vmem>>
        %dma_wait3A_122 = tpu.memref_squeeze %dma_wait3A_121 : memref<1x128x128xf32, #tpu.memory_space<vmem>> -> memref<128x128xf32, #tpu.memory_space<vmem>>
        %dma_wait3A_123 = arith.constant 0 : i32
        %dma_wait3A_124 = tpu.memref_slice %arg7[%dma_wait3A, %dma_wait3A_123] : memref<3x128xi32, #tpu.memory_space<vmem>> -> memref<1x128xi32, #tpu.memory_space<vmem>>
        %dma_wait3A_125 = tpu.memref_squeeze %dma_wait3A_124 : memref<1x128xi32, #tpu.memory_space<vmem>> -> memref<128xi32, #tpu.memory_space<vmem>>
        %dma_wait3A_126 = arith.constant 0 : i32
        %dma_wait3A_127 = arith.constant 0 : i32
        %dma_wait3A_128 = tpu.memref_slice %arg2[%arg0, %dma_wait3A_126, %dma_wait3A_127] : memref<2x10000x128xf32, #tpu.memory_space<hbm>> -> memref<1x10000x128xf32, #tpu.memory_space<hbm>>
        %dma_wait3A_129 = tpu.memref_squeeze %dma_wait3A_128 : memref<1x10000x128xf32, #tpu.memory_space<hbm>> -> memref<10000x128xf32, #tpu.memory_space<hbm>>
        %dma_wait3A_130 = arith.constant 0 : i32
        %dma_wait3A_131 = arith.constant 0 : i32
        %dma_wait3A_132 = tpu.memref_slice %dma_wait3A_129[%dma_wait3A_130, %dma_wait3A_131] : memref<10000x128xf32, #tpu.memory_space<hbm>> -> memref<10000x128xf32, #tpu.memory_space<hbm>>
        tpu.wait_indirect_dma semaphore(%arg12 : memref<!tpu.dma_semaphore, #tpu.memory_space<semaphore_mem>>) src(%dma_wait3A_132 : memref<10000x128xf32, #tpu.memory_space<hbm>>) dst(%dma_wait3A_122 : memref<128x128xf32, #tpu.memory_space<vmem>>)
        %dma_start3A = arith.constant 2 : i32
        %dma_start3A_133 = arith.constant 2 : i32
        %dma_start3A_134 = arith.constant 0 : i32
        %dma_start3A_135 = arith.constant 0 : i32
        %dma_start3A_136 = tpu.memref_slice %arg9[%dma_start3A, %dma_start3A_134, %dma_start3A_135] : memref<3x128x128xf32, #tpu.memory_space<vmem>> -> memref<1x128x128xf32, #tpu.memory_space<vmem>>
        %dma_start3A_137 = tpu.memref_squeeze %dma_start3A_136 : memref<1x128x128xf32, #tpu.memory_space<vmem>> -> memref<128x128xf32, #tpu.memory_space<vmem>>
        %dma_start3A_138 = arith.constant 0 : i32
        %dma_start3A_139 = tpu.memref_slice %arg8[%dma_start3A_133, %dma_start3A_138] : memref<3x128xi32, #tpu.memory_space<vmem>> -> memref<1x128xi32, #tpu.memory_space<vmem>>
        %dma_start3A_140 = tpu.memref_squeeze %dma_start3A_139 : memref<1x128xi32, #tpu.memory_space<vmem>> -> memref<128xi32, #tpu.memory_space<vmem>>
        %dma_start3A_141 = arith.constant 0 : i32
        %dma_start3A_142 = arith.constant 0 : i32
        %dma_start3A_143 = tpu.memref_slice %arg6[%dma_start3A_141, %dma_start3A_142] : memref<10008x128xf32, #tpu.memory_space<vmem_shared>> -> memref<10008x128xf32, #tpu.memory_space<vmem_shared>>
        tpu.enqueue_indirect_dma source(%dma_start3A_137 : memref<128x128xf32, #tpu.memory_space<vmem>>) target(%dma_start3A_143 : memref<10008x128xf32, #tpu.memory_space<vmem_shared>>) offsets(%dma_start3A_140 : memref<128xi32, #tpu.memory_space<vmem>>) semaphore(%arg15 : memref<!tpu.dma_semaphore, #tpu.memory_space<semaphore_mem>>) {add = true}
      } else {
      }
      %add3A_91 = arith.constant 2 : i32
      %add3A_92 = arith.addi %add3A_39, %add3A_91 : i32
      %sub3A_93 = arith.constant 3 : i32
      %sub3A_94 = arith.subi %add3A_92, %sub3A_93 : i32
      %ge3A_95 = arith.constant 0 : i32
      %ge3A_96 = arith.cmpi sge, %sub3A_94, %ge3A_95 : i32
      %lt3A_97 = arith.constant 80 : i32
      %lt3A_98 = arith.cmpi slt, %sub3A_94, %lt3A_97 : i32
      %and3A_99 = arith.andi %ge3A_96, %lt3A_98 : i1
      %convert_element_type3A_100 = arith.extui %and3A_99 : i1 to i32
      %cond3A_101 = arith.constant 0 : i32
      %cond3A_102 = arith.cmpi ne, %convert_element_type3A_100, %cond3A_101 : i32
      scf.if %cond3A_102 {
        %dma_wait3A = arith.constant 2 : i32
        %dma_wait3A_118 = arith.constant 2 : i32
        %dma_wait3A_119 = arith.constant 0 : i32
        %dma_wait3A_120 = arith.constant 0 : i32
        %dma_wait3A_121 = tpu.memref_slice %arg9[%dma_wait3A, %dma_wait3A_119, %dma_wait3A_120] : memref<3x128x128xf32, #tpu.memory_space<vmem>> -> memref<1x128x128xf32, #tpu.memory_space<vmem>>
        %dma_wait3A_122 = tpu.memref_squeeze %dma_wait3A_121 : memref<1x128x128xf32, #tpu.memory_space<vmem>> -> memref<128x128xf32, #tpu.memory_space<vmem>>
        %dma_wait3A_123 = arith.constant 0 : i32
        %dma_wait3A_124 = tpu.memref_slice %arg8[%dma_wait3A_118, %dma_wait3A_123] : memref<3x128xi32, #tpu.memory_space<vmem>> -> memref<1x128xi32, #tpu.memory_space<vmem>>
        %dma_wait3A_125 = tpu.memref_squeeze %dma_wait3A_124 : memref<1x128xi32, #tpu.memory_space<vmem>> -> memref<128xi32, #tpu.memory_space<vmem>>
        %dma_wait3A_126 = arith.constant 0 : i32
        %dma_wait3A_127 = arith.constant 0 : i32
        %dma_wait3A_128 = tpu.memref_slice %arg6[%dma_wait3A_126, %dma_wait3A_127] : memref<10008x128xf32, #tpu.memory_space<vmem_shared>> -> memref<10008x128xf32, #tpu.memory_space<vmem_shared>>
        tpu.wait_indirect_dma semaphore(%arg15 : memref<!tpu.dma_semaphore, #tpu.memory_space<semaphore_mem>>) src(%dma_wait3A_122 : memref<128x128xf32, #tpu.memory_space<vmem>>) dst(%dma_wait3A_128 : memref<10008x128xf32, #tpu.memory_space<vmem_shared>>)
      } else {
      }
      %lt3A_103 = arith.constant 80 : i32
      %lt3A_104 = arith.cmpi slt, %add3A_92, %lt3A_103 : i32
      %convert_element_type3A_105 = arith.extui %lt3A_104 : i1 to i32
      %cond3A_106 = arith.constant 0 : i32
      %cond3A_107 = arith.cmpi ne, %convert_element_type3A_105, %cond3A_106 : i32
      scf.if %cond3A_107 {
        %mul3A_118 = arith.constant 16 : i32
        %mul3A_119 = arith.muli %add3A_92, %mul3A_118 : i32
        %add3A_120 = arith.addi %mul3A_119, %arg1 : i32
        %mul3A_121 = arith.constant 128 : i32
        %mul3A_122 = arith.muli %add3A_120, %mul3A_121 : i32
        %run_scoped3A = arith.constant 2 : i32
        "tpu.region"() ({
          %run_scoped3A_139 = tpu.sem_alloc : memref<!tpu.dma_semaphore, #tpu.memory_space<semaphore_mem>>
          %dma_start3A_140 = arith.constant 0 : i32
          %dma_start3A_141 = tpu.memref_slice %arg7[%run_scoped3A, %dma_start3A_140] : memref<3x128xi32, #tpu.memory_space<vmem>> -> memref<1x128xi32, #tpu.memory_space<vmem>>
          %dma_start3A_142 = tpu.memref_squeeze %dma_start3A_141 : memref<1x128xi32, #tpu.memory_space<vmem>> -> memref<128xi32, #tpu.memory_space<vmem>>
          %dma_start3A_143 = tpu.memref_slice %arg3[%mul3A_122] : memref<163840xi32, #tpu.memory_space<hbm>> -> memref<128xi32, #tpu.memory_space<hbm>>
          %dma_start3A_144 = arith.constant 0 : i32
          %dma_start3A_145 = tpu.memref_slice %arg7[%run_scoped3A, %dma_start3A_144] : memref<3x128xi32, #tpu.memory_space<vmem>> -> memref<1x128xi32, #tpu.memory_space<vmem>>
          %dma_start3A_146 = tpu.memref_squeeze %dma_start3A_145 : memref<1x128xi32, #tpu.memory_space<vmem>> -> memref<128xi32, #tpu.memory_space<vmem>>
          %dma_start3A_147 = tpu.memref_slice %arg3[%mul3A_122] : memref<163840xi32, #tpu.memory_space<hbm>> -> memref<128xi32, #tpu.memory_space<hbm>>
          tpu.enqueue_dma source(%dma_start3A_147 : memref<128xi32, #tpu.memory_space<hbm>>) target(%dma_start3A_146 : memref<128xi32, #tpu.memory_space<vmem>>) target_semaphore(%run_scoped3A_139 : memref<!tpu.dma_semaphore, #tpu.memory_space<semaphore_mem>>)
          %dma_wait3A = arith.constant 0 : i32
          %dma_wait3A_148 = tpu.memref_slice %arg7[%run_scoped3A, %dma_wait3A] : memref<3x128xi32, #tpu.memory_space<vmem>> -> memref<1x128xi32, #tpu.memory_space<vmem>>
          %dma_wait3A_149 = tpu.memref_squeeze %dma_wait3A_148 : memref<1x128xi32, #tpu.memory_space<vmem>> -> memref<128xi32, #tpu.memory_space<vmem>>
          %dma_wait3A_150 = tpu.memref_slice %arg3[%mul3A_122] : memref<163840xi32, #tpu.memory_space<hbm>> -> memref<128xi32, #tpu.memory_space<hbm>>
          %dma_wait3A_151 = arith.constant 0 : i32
          %dma_wait3A_152 = tpu.memref_slice %arg7[%run_scoped3A, %dma_wait3A_151] : memref<3x128xi32, #tpu.memory_space<vmem>> -> memref<1x128xi32, #tpu.memory_space<vmem>>
          %dma_wait3A_153 = tpu.memref_squeeze %dma_wait3A_152 : memref<1x128xi32, #tpu.memory_space<vmem>> -> memref<128xi32, #tpu.memory_space<vmem>>
          %dma_wait3A_154 = tpu.memref_slice %arg3[%mul3A_122] : memref<163840xi32, #tpu.memory_space<hbm>> -> memref<128xi32, #tpu.memory_space<hbm>>
          tpu.wait_dma2 semaphore(%run_scoped3A_139 : memref<!tpu.dma_semaphore, #tpu.memory_space<semaphore_mem>>) src(%dma_wait3A_154 : memref<128xi32, #tpu.memory_space<hbm>>) dst(%dma_wait3A_153 : memref<128xi32, #tpu.memory_space<vmem>>)
          tpu.yield
        }) : () -> ()
        %dma_start3A = arith.constant 2 : i32
        %dma_start3A_123 = arith.constant 2 : i32
        %dma_start3A_124 = arith.constant 0 : i32
        %dma_start3A_125 = arith.constant 0 : i32
        %dma_start3A_126 = tpu.memref_slice %arg9[%dma_start3A_123, %dma_start3A_124, %dma_start3A_125] : memref<3x128x128xf32, #tpu.memory_space<vmem>> -> memref<1x128x128xf32, #tpu.memory_space<vmem>>
        %dma_start3A_127 = tpu.memref_squeeze %dma_start3A_126 : memref<1x128x128xf32, #tpu.memory_space<vmem>> -> memref<128x128xf32, #tpu.memory_space<vmem>>
        %dma_start3A_128 = arith.constant 0 : i32
        %dma_start3A_129 = tpu.memref_slice %arg7[%dma_start3A, %dma_start3A_128] : memref<3x128xi32, #tpu.memory_space<vmem>> -> memref<1x128xi32, #tpu.memory_space<vmem>>
        %dma_start3A_130 = tpu.memref_squeeze %dma_start3A_129 : memref<1x128xi32, #tpu.memory_space<vmem>> -> memref<128xi32, #tpu.memory_space<vmem>>
        %dma_start3A_131 = arith.constant 0 : i32
        %dma_start3A_132 = arith.constant 0 : i32
        %dma_start3A_133 = tpu.memref_slice %arg2[%arg0, %dma_start3A_131, %dma_start3A_132] : memref<2x10000x128xf32, #tpu.memory_space<hbm>> -> memref<1x10000x128xf32, #tpu.memory_space<hbm>>
        %dma_start3A_134 = tpu.memref_squeeze %dma_start3A_133 : memref<1x10000x128xf32, #tpu.memory_space<hbm>> -> memref<10000x128xf32, #tpu.memory_space<hbm>>
        %dma_start3A_135 = arith.constant 0 : i32
        %dma_start3A_136 = arith.constant 0 : i32
        %dma_start3A_137 = tpu.memref_slice %dma_start3A_134[%dma_start3A_135, %dma_start3A_136] : memref<10000x128xf32, #tpu.memory_space<hbm>> -> memref<10000x128xf32, #tpu.memory_space<hbm>>
        tpu.enqueue_indirect_dma source(%dma_start3A_137 : memref<10000x128xf32, #tpu.memory_space<hbm>>) target(%dma_start3A_127 : memref<128x128xf32, #tpu.memory_space<vmem>>) offsets(%dma_start3A_130 : memref<128xi32, #tpu.memory_space<vmem>>) semaphore(%arg12 : memref<!tpu.dma_semaphore, #tpu.memory_space<semaphore_mem>>)
        %run_scoped3A_138 = arith.constant 2 : i32
        "tpu.region"() ({
          %run_scoped3A_139 = tpu.sem_alloc : memref<!tpu.dma_semaphore, #tpu.memory_space<semaphore_mem>>
          %dma_start3A_140 = arith.constant 0 : i32
          %dma_start3A_141 = tpu.memref_slice %arg8[%run_scoped3A_138, %dma_start3A_140] : memref<3x128xi32, #tpu.memory_space<vmem>> -> memref<1x128xi32, #tpu.memory_space<vmem>>
          %dma_start3A_142 = tpu.memref_squeeze %dma_start3A_141 : memref<1x128xi32, #tpu.memory_space<vmem>> -> memref<128xi32, #tpu.memory_space<vmem>>
          %dma_start3A_143 = tpu.memref_slice %arg4[%mul3A_122] : memref<163840xi32, #tpu.memory_space<hbm>> -> memref<128xi32, #tpu.memory_space<hbm>>
          %dma_start3A_144 = arith.constant 0 : i32
          %dma_start3A_145 = tpu.memref_slice %arg8[%run_scoped3A_138, %dma_start3A_144] : memref<3x128xi32, #tpu.memory_space<vmem>> -> memref<1x128xi32, #tpu.memory_space<vmem>>
          %dma_start3A_146 = tpu.memref_squeeze %dma_start3A_145 : memref<1x128xi32, #tpu.memory_space<vmem>> -> memref<128xi32, #tpu.memory_space<vmem>>
          %dma_start3A_147 = tpu.memref_slice %arg4[%mul3A_122] : memref<163840xi32, #tpu.memory_space<hbm>> -> memref<128xi32, #tpu.memory_space<hbm>>
          tpu.enqueue_dma source(%dma_start3A_147 : memref<128xi32, #tpu.memory_space<hbm>>) target(%dma_start3A_146 : memref<128xi32, #tpu.memory_space<vmem>>) target_semaphore(%run_scoped3A_139 : memref<!tpu.dma_semaphore, #tpu.memory_space<semaphore_mem>>)
          %dma_wait3A = arith.constant 0 : i32
          %dma_wait3A_148 = tpu.memref_slice %arg8[%run_scoped3A_138, %dma_wait3A] : memref<3x128xi32, #tpu.memory_space<vmem>> -> memref<1x128xi32, #tpu.memory_space<vmem>>
          %dma_wait3A_149 = tpu.memref_squeeze %dma_wait3A_148 : memref<1x128xi32, #tpu.memory_space<vmem>> -> memref<128xi32, #tpu.memory_space<vmem>>
          %dma_wait3A_150 = tpu.memref_slice %arg4[%mul3A_122] : memref<163840xi32, #tpu.memory_space<hbm>> -> memref<128xi32, #tpu.memory_space<hbm>>
          %dma_wait3A_151 = arith.constant 0 : i32
          %dma_wait3A_152 = tpu.memref_slice %arg8[%run_scoped3A_138, %dma_wait3A_151] : memref<3x128xi32, #tpu.memory_space<vmem>> -> memref<1x128xi32, #tpu.memory_space<vmem>>
          %dma_wait3A_153 = tpu.memref_squeeze %dma_wait3A_152 : memref<1x128xi32, #tpu.memory_space<vmem>> -> memref<128xi32, #tpu.memory_space<vmem>>
          %dma_wait3A_154 = tpu.memref_slice %arg4[%mul3A_122] : memref<163840xi32, #tpu.memory_space<hbm>> -> memref<128xi32, #tpu.memory_space<hbm>>
          tpu.wait_dma2 semaphore(%run_scoped3A_139 : memref<!tpu.dma_semaphore, #tpu.memory_space<semaphore_mem>>) src(%dma_wait3A_154 : memref<128xi32, #tpu.memory_space<hbm>>) dst(%dma_wait3A_153 : memref<128xi32, #tpu.memory_space<vmem>>)
          tpu.yield
        }) : () -> ()
      } else {
      }
      %sub3A_108 = arith.constant 2 : i32
      %sub3A_109 = arith.subi %add3A_92, %sub3A_108 : i32
      %ge3A_110 = arith.constant 0 : i32
      %ge3A_111 = arith.cmpi sge, %sub3A_109, %ge3A_110 : i32
      %lt3A_112 = arith.constant 80 : i32
      %lt3A_113 = arith.cmpi slt, %sub3A_109, %lt3A_112 : i32
      %and3A_114 = arith.andi %ge3A_111, %lt3A_113 : i1
      %convert_element_type3A_115 = arith.extui %and3A_114 : i1 to i32
      %cond3A_116 = arith.constant 0 : i32
      %cond3A_117 = arith.cmpi ne, %convert_element_type3A_115, %cond3A_116 : i32
      scf.if %cond3A_117 {
        %dma_wait3A = arith.constant 0 : i32
        %dma_wait3A_118 = arith.constant 0 : i32
        %dma_wait3A_119 = arith.constant 0 : i32
        %dma_wait3A_120 = arith.constant 0 : i32
        %dma_wait3A_121 = tpu.memref_slice %arg9[%dma_wait3A_118, %dma_wait3A_119, %dma_wait3A_120] : memref<3x128x128xf32, #tpu.memory_space<vmem>> -> memref<1x128x128xf32, #tpu.memory_space<vmem>>
        %dma_wait3A_122 = tpu.memref_squeeze %dma_wait3A_121 : memref<1x128x128xf32, #tpu.memory_space<vmem>> -> memref<128x128xf32, #tpu.memory_space<vmem>>
        %dma_wait3A_123 = arith.constant 0 : i32
        %dma_wait3A_124 = tpu.memref_slice %arg7[%dma_wait3A, %dma_wait3A_123] : memref<3x128xi32, #tpu.memory_space<vmem>> -> memref<1x128xi32, #tpu.memory_space<vmem>>
        %dma_wait3A_125 = tpu.memref_squeeze %dma_wait3A_124 : memref<1x128xi32, #tpu.memory_space<vmem>> -> memref<128xi32, #tpu.memory_space<vmem>>
        %dma_wait3A_126 = arith.constant 0 : i32
        %dma_wait3A_127 = arith.constant 0 : i32
        %dma_wait3A_128 = tpu.memref_slice %arg2[%arg0, %dma_wait3A_126, %dma_wait3A_127] : memref<2x10000x128xf32, #tpu.memory_space<hbm>> -> memref<1x10000x128xf32, #tpu.memory_space<hbm>>
        %dma_wait3A_129 = tpu.memref_squeeze %dma_wait3A_128 : memref<1x10000x128xf32, #tpu.memory_space<hbm>> -> memref<10000x128xf32, #tpu.memory_space<hbm>>
        %dma_wait3A_130 = arith.constant 0 : i32
        %dma_wait3A_131 = arith.constant 0 : i32
        %dma_wait3A_132 = tpu.memref_slice %dma_wait3A_129[%dma_wait3A_130, %dma_wait3A_131] : memref<10000x128xf32, #tpu.memory_space<hbm>> -> memref<10000x128xf32, #tpu.memory_space<hbm>>
        tpu.wait_indirect_dma semaphore(%arg10 : memref<!tpu.dma_semaphore, #tpu.memory_space<semaphore_mem>>) src(%dma_wait3A_132 : memref<10000x128xf32, #tpu.memory_space<hbm>>) dst(%dma_wait3A_122 : memref<128x128xf32, #tpu.memory_space<vmem>>)
        %dma_start3A = arith.constant 0 : i32
        %dma_start3A_133 = arith.constant 0 : i32
        %dma_start3A_134 = arith.constant 0 : i32
        %dma_start3A_135 = arith.constant 0 : i32
        %dma_start3A_136 = tpu.memref_slice %arg9[%dma_start3A, %dma_start3A_134, %dma_start3A_135] : memref<3x128x128xf32, #tpu.memory_space<vmem>> -> memref<1x128x128xf32, #tpu.memory_space<vmem>>
        %dma_start3A_137 = tpu.memref_squeeze %dma_start3A_136 : memref<1x128x128xf32, #tpu.memory_space<vmem>> -> memref<128x128xf32, #tpu.memory_space<vmem>>
        %dma_start3A_138 = arith.constant 0 : i32
        %dma_start3A_139 = tpu.memref_slice %arg8[%dma_start3A_133, %dma_start3A_138] : memref<3x128xi32, #tpu.memory_space<vmem>> -> memref<1x128xi32, #tpu.memory_space<vmem>>
        %dma_start3A_140 = tpu.memref_squeeze %dma_start3A_139 : memref<1x128xi32, #tpu.memory_space<vmem>> -> memref<128xi32, #tpu.memory_space<vmem>>
        %dma_start3A_141 = arith.constant 0 : i32
        %dma_start3A_142 = arith.constant 0 : i32
        %dma_start3A_143 = tpu.memref_slice %arg6[%dma_start3A_141, %dma_start3A_142] : memref<10008x128xf32, #tpu.memory_space<vmem_shared>> -> memref<10008x128xf32, #tpu.memory_space<vmem_shared>>
        tpu.enqueue_indirect_dma source(%dma_start3A_137 : memref<128x128xf32, #tpu.memory_space<vmem>>) target(%dma_start3A_143 : memref<10008x128xf32, #tpu.memory_space<vmem_shared>>) offsets(%dma_start3A_140 : memref<128xi32, #tpu.memory_space<vmem>>) semaphore(%arg13 : memref<!tpu.dma_semaphore, #tpu.memory_space<semaphore_mem>>) {add = true}
      } else {
      }
    }
    %scan3A_8 = arith.constant 28 : i32
    %and3A = arith.constant true
    %and3A_9 = arith.constant false
    %and3A_10 = arith.andi %and3A, %and3A_9 : i1
    %convert_element_type3A_11 = arith.extui %and3A_10 : i1 to i32
    %cond3A_12 = arith.constant 0 : i32
    %cond3A_13 = arith.cmpi ne, %convert_element_type3A_11, %cond3A_12 : i32
    scf.if %cond3A_13 {
      %dma_wait3A = arith.constant 0 : i32
      %dma_wait3A_36 = arith.constant 0 : i32
      %dma_wait3A_37 = arith.constant 0 : i32
      %dma_wait3A_38 = arith.constant 0 : i32
      %dma_wait3A_39 = tpu.memref_slice %arg9[%dma_wait3A, %dma_wait3A_37, %dma_wait3A_38] : memref<3x128x128xf32, #tpu.memory_space<vmem>> -> memref<1x128x128xf32, #tpu.memory_space<vmem>>
      %dma_wait3A_40 = tpu.memref_squeeze %dma_wait3A_39 : memref<1x128x128xf32, #tpu.memory_space<vmem>> -> memref<128x128xf32, #tpu.memory_space<vmem>>
      %dma_wait3A_41 = arith.constant 0 : i32
      %dma_wait3A_42 = tpu.memref_slice %arg8[%dma_wait3A_36, %dma_wait3A_41] : memref<3x128xi32, #tpu.memory_space<vmem>> -> memref<1x128xi32, #tpu.memory_space<vmem>>
      %dma_wait3A_43 = tpu.memref_squeeze %dma_wait3A_42 : memref<1x128xi32, #tpu.memory_space<vmem>> -> memref<128xi32, #tpu.memory_space<vmem>>
      %dma_wait3A_44 = arith.constant 0 : i32
      %dma_wait3A_45 = arith.constant 0 : i32
      %dma_wait3A_46 = tpu.memref_slice %arg6[%dma_wait3A_44, %dma_wait3A_45] : memref<10008x128xf32, #tpu.memory_space<vmem_shared>> -> memref<10008x128xf32, #tpu.memory_space<vmem_shared>>
      tpu.wait_indirect_dma semaphore(%arg13 : memref<!tpu.dma_semaphore, #tpu.memory_space<semaphore_mem>>) src(%dma_wait3A_40 : memref<128x128xf32, #tpu.memory_space<vmem>>) dst(%dma_wait3A_46 : memref<10008x128xf32, #tpu.memory_space<vmem_shared>>)
    } else {
    }
    %and3A_14 = arith.constant true
    %and3A_15 = arith.constant false
    %and3A_16 = arith.andi %and3A_14, %and3A_15 : i1
    %convert_element_type3A_17 = arith.extui %and3A_16 : i1 to i32
    %cond3A_18 = arith.constant 0 : i32
    %cond3A_19 = arith.cmpi ne, %convert_element_type3A_17, %cond3A_18 : i32
    scf.if %cond3A_19 {
      %dma_wait3A = arith.constant 1 : i32
      %dma_wait3A_36 = arith.constant 1 : i32
      %dma_wait3A_37 = arith.constant 0 : i32
      %dma_wait3A_38 = arith.constant 0 : i32
      %dma_wait3A_39 = tpu.memref_slice %arg9[%dma_wait3A, %dma_wait3A_37, %dma_wait3A_38] : memref<3x128x128xf32, #tpu.memory_space<vmem>> -> memref<1x128x128xf32, #tpu.memory_space<vmem>>
      %dma_wait3A_40 = tpu.memref_squeeze %dma_wait3A_39 : memref<1x128x128xf32, #tpu.memory_space<vmem>> -> memref<128x128xf32, #tpu.memory_space<vmem>>
      %dma_wait3A_41 = arith.constant 0 : i32
      %dma_wait3A_42 = tpu.memref_slice %arg8[%dma_wait3A_36, %dma_wait3A_41] : memref<3x128xi32, #tpu.memory_space<vmem>> -> memref<1x128xi32, #tpu.memory_space<vmem>>
      %dma_wait3A_43 = tpu.memref_squeeze %dma_wait3A_42 : memref<1x128xi32, #tpu.memory_space<vmem>> -> memref<128xi32, #tpu.memory_space<vmem>>
      %dma_wait3A_44 = arith.constant 0 : i32
      %dma_wait3A_45 = arith.constant 0 : i32
      %dma_wait3A_46 = tpu.memref_slice %arg6[%dma_wait3A_44, %dma_wait3A_45] : memref<10008x128xf32, #tpu.memory_space<vmem_shared>> -> memref<10008x128xf32, #tpu.memory_space<vmem_shared>>
      tpu.wait_indirect_dma semaphore(%arg14 : memref<!tpu.dma_semaphore, #tpu.memory_space<semaphore_mem>>) src(%dma_wait3A_40 : memref<128x128xf32, #tpu.memory_space<vmem>>) dst(%dma_wait3A_46 : memref<10008x128xf32, #tpu.memory_space<vmem_shared>>)
    } else {
    }
    %and3A_20 = arith.constant true
    %and3A_21 = arith.constant false
    %and3A_22 = arith.andi %and3A_20, %and3A_21 : i1
    %convert_element_type3A_23 = arith.extui %and3A_22 : i1 to i32
    %cond3A_24 = arith.constant 0 : i32
    %cond3A_25 = arith.cmpi ne, %convert_element_type3A_23, %cond3A_24 : i32
    scf.if %cond3A_25 {
      %dma_wait3A = arith.constant 2 : i32
      %dma_wait3A_36 = arith.constant 2 : i32
      %dma_wait3A_37 = arith.constant 0 : i32
      %dma_wait3A_38 = arith.constant 0 : i32
      %dma_wait3A_39 = tpu.memref_slice %arg9[%dma_wait3A, %dma_wait3A_37, %dma_wait3A_38] : memref<3x128x128xf32, #tpu.memory_space<vmem>> -> memref<1x128x128xf32, #tpu.memory_space<vmem>>
      %dma_wait3A_40 = tpu.memref_squeeze %dma_wait3A_39 : memref<1x128x128xf32, #tpu.memory_space<vmem>> -> memref<128x128xf32, #tpu.memory_space<vmem>>
      %dma_wait3A_41 = arith.constant 0 : i32
      %dma_wait3A_42 = tpu.memref_slice %arg8[%dma_wait3A_36, %dma_wait3A_41] : memref<3x128xi32, #tpu.memory_space<vmem>> -> memref<1x128xi32, #tpu.memory_space<vmem>>
      %dma_wait3A_43 = tpu.memref_squeeze %dma_wait3A_42 : memref<1x128xi32, #tpu.memory_space<vmem>> -> memref<128xi32, #tpu.memory_space<vmem>>
      %dma_wait3A_44 = arith.constant 0 : i32
      %dma_wait3A_45 = arith.constant 0 : i32
      %dma_wait3A_46 = tpu.memref_slice %arg6[%dma_wait3A_44, %dma_wait3A_45] : memref<10008x128xf32, #tpu.memory_space<vmem_shared>> -> memref<10008x128xf32, #tpu.memory_space<vmem_shared>>
      tpu.wait_indirect_dma semaphore(%arg15 : memref<!tpu.dma_semaphore, #tpu.memory_space<semaphore_mem>>) src(%dma_wait3A_40 : memref<128x128xf32, #tpu.memory_space<vmem>>) dst(%dma_wait3A_46 : memref<10008x128xf32, #tpu.memory_space<vmem_shared>>)
    } else {
    }
    %barrier3A_26 = arith.constant 0 : index
    tpu.barrier barrier_id(%barrier3A_26)
    %mul3A_27 = arith.constant 624 : i32
    %mul3A_28 = arith.muli %arg1, %mul3A_27 : i32
    %mul3A_29 = arith.constant 624 : i32
    %mul3A_30 = arith.muli %arg1, %mul3A_29 : i32
    "tpu.region"() ({
      %run_scoped3A = tpu.sem_alloc : memref<!tpu.dma_semaphore, #tpu.memory_space<semaphore_mem>>
      %dma_start3A = arith.constant 0 : i32
      %dma_start3A_36 = tpu.memref_slice %arg5[%arg0, %mul3A_30, %dma_start3A] : memref<2x10000x128xf32, #tpu.memory_space<hbm>> -> memref<1x624x128xf32, #tpu.memory_space<hbm>>
      %dma_start3A_37 = tpu.memref_squeeze %dma_start3A_36 : memref<1x624x128xf32, #tpu.memory_space<hbm>> -> memref<624x128xf32, #tpu.memory_space<hbm>>
      %dma_start3A_38 = arith.constant 0 : i32
      %dma_start3A_39 = tpu.memref_slice %arg6[%mul3A_28, %dma_start3A_38] : memref<10008x128xf32, #tpu.memory_space<vmem_shared>> -> memref<624x128xf32, #tpu.memory_space<vmem_shared>>
      tpu.enqueue_dma source(%dma_start3A_39 : memref<624x128xf32, #tpu.memory_space<vmem_shared>>) target(%dma_start3A_37 : memref<624x128xf32, #tpu.memory_space<hbm>>) target_semaphore(%run_scoped3A : memref<!tpu.dma_semaphore, #tpu.memory_space<semaphore_mem>>)
      %dma_wait3A = arith.constant 0 : i32
      %dma_wait3A_40 = tpu.memref_slice %arg5[%arg0, %mul3A_30, %dma_wait3A] : memref<2x10000x128xf32, #tpu.memory_space<hbm>> -> memref<1x624x128xf32, #tpu.memory_space<hbm>>
      %dma_wait3A_41 = tpu.memref_squeeze %dma_wait3A_40 : memref<1x624x128xf32, #tpu.memory_space<hbm>> -> memref<624x128xf32, #tpu.memory_space<hbm>>
      %dma_wait3A_42 = arith.constant 0 : i32
      %dma_wait3A_43 = tpu.memref_slice %arg6[%mul3A_28, %dma_wait3A_42] : memref<10008x128xf32, #tpu.memory_space<vmem_shared>> -> memref<624x128xf32, #tpu.memory_space<vmem_shared>>
      tpu.wait_dma2 semaphore(%run_scoped3A : memref<!tpu.dma_semaphore, #tpu.memory_space<semaphore_mem>>) src(%dma_wait3A_43 : memref<624x128xf32, #tpu.memory_space<vmem_shared>>) dst(%dma_wait3A_41 : memref<624x128xf32, #tpu.memory_space<hbm>>)
      tpu.yield
    }) : () -> ()
    %eq3A_31 = arith.constant 15 : i32
    %eq3A_32 = arith.cmpi eq, %arg1, %eq3A_31 : i32
    %convert_element_type3A_33 = arith.extui %eq3A_32 : i1 to i32
    %cond3A_34 = arith.constant 0 : i32
    %cond3A_35 = arith.cmpi ne, %convert_element_type3A_33, %cond3A_34 : i32
    scf.if %cond3A_35 {
      "tpu.region"() ({
        %run_scoped3A = tpu.sem_alloc : memref<!tpu.dma_semaphore, #tpu.memory_space<semaphore_mem>>
        %dma_start3A = arith.constant 9984 : i32
        %dma_start3A_36 = arith.constant 0 : i32
        %dma_start3A_37 = tpu.memref_slice %arg5[%arg0, %dma_start3A, %dma_start3A_36] : memref<2x10000x128xf32, #tpu.memory_space<hbm>> -> memref<1x16x128xf32, #tpu.memory_space<hbm>>
        %dma_start3A_38 = tpu.memref_squeeze %dma_start3A_37 : memref<1x16x128xf32, #tpu.memory_space<hbm>> -> memref<16x128xf32, #tpu.memory_space<hbm>>
        %dma_start3A_39 = arith.constant 9984 : i32
        %dma_start3A_40 = arith.constant 0 : i32
        %dma_start3A_41 = tpu.memref_slice %arg6[%dma_start3A_39, %dma_start3A_40] : memref<10008x128xf32, #tpu.memory_space<vmem_shared>> -> memref<16x128xf32, #tpu.memory_space<vmem_shared>>
        tpu.enqueue_dma source(%dma_start3A_41 : memref<16x128xf32, #tpu.memory_space<vmem_shared>>) target(%dma_start3A_38 : memref<16x128xf32, #tpu.memory_space<hbm>>) target_semaphore(%run_scoped3A : memref<!tpu.dma_semaphore, #tpu.memory_space<semaphore_mem>>)
        %dma_wait3A = arith.constant 9984 : i32
        %dma_wait3A_42 = arith.constant 0 : i32
        %dma_wait3A_43 = tpu.memref_slice %arg5[%arg0, %dma_wait3A, %dma_wait3A_42] : memref<2x10000x128xf32, #tpu.memory_space<hbm>> -> memref<1x16x128xf32, #tpu.memory_space<hbm>>
        %dma_wait3A_44 = tpu.memref_squeeze %dma_wait3A_43 : memref<1x16x128xf32, #tpu.memory_space<hbm>> -> memref<16x128xf32, #tpu.memory_space<hbm>>
        %dma_wait3A_45 = arith.constant 9984 : i32
        %dma_wait3A_46 = arith.constant 0 : i32
        %dma_wait3A_47 = tpu.memref_slice %arg6[%dma_wait3A_45, %dma_wait3A_46] : memref<10008x128xf32, #tpu.memory_space<vmem_shared>> -> memref<16x128xf32, #tpu.memory_space<vmem_shared>>
        tpu.wait_dma2 semaphore(%run_scoped3A : memref<!tpu.dma_semaphore, #tpu.memory_space<semaphore_mem>>) src(%dma_wait3A_47 : memref<16x128xf32, #tpu.memory_space<vmem_shared>>) dst(%dma_wait3A_44 : memref<16x128xf32, #tpu.memory_space<hbm>>)
        tpu.yield
      }) : () -> ()
    } else {
    }
    return
  }
}

module attributes {stable_mosaic.version = 14 : i64} {
  func.func @body(%arg0: i32, %arg1: memref<1000x256xf32, #tpu.memory_space<vmem>>, %arg2: memref<256x256xf32, #tpu.memory_space<vmem>>, %arg3: memref<1000x1xf32, #tpu.memory_space<vmem>>, %arg4: memref<1000x1xf32, #tpu.memory_space<vmem>>, %arg5: memref<2x1000x128xf32, #tpu.memory_space<vmem>>, %arg6: memref<1000x1xf32, #tpu.memory_space<vmem>>) attributes {dimension_semantics = [#tpu.dimension_semantics<arbitrary>], iteration_bounds = array<i64: 10>, scalar_prefetch = 0 : i64, scratch_operands = 0 : i64, tpu.core_type = #tpu.core_type<tc>, window_params = [{transform_indices = @transform_0, window_bounds = array<i64: 1000, 256>}, {pipeline_mode = #tpu.pipeline_mode<synchronous>, transform_indices = @transform_1, window_bounds = array<i64: 256, 256>}, {transform_indices = @transform_2, window_bounds = array<i64: 1000, 1>}, {transform_indices = @transform_3, window_bounds = array<i64: 1000, 1>}, {transform_indices = @transform_4, window_bounds = array<i64: 2, 1000, 128>}, {transform_indices = @transform_5, window_bounds = array<i64: 1000, 1>}]} {
    %get3A = arith.constant 0 : index
    %get3A_0 = arith.constant 0 : index
    %get3A_1 = vector.load %arg3[%get3A, %get3A_0] : memref<1000x1xf32, #tpu.memory_space<vmem>>, vector<1000x1xf32>
    %get3A_2 = arith.constant 0 : index
    %get3A_3 = arith.constant 0 : index
    %get3A_4 = vector.load %arg4[%get3A_2, %get3A_3] : memref<1000x1xf32, #tpu.memory_space<vmem>>, vector<1000x1xf32>
    %add3A = arith.addf %get3A_1, %get3A_4 : vector<1000x1xf32>
    %add3A_5 = arith.constant 1.000000e+00 : f32
    %add3A_6 = vector.broadcast %add3A_5 : f32 to vector<1000x1xf32>
    %add3A_7 = arith.addf %add3A, %add3A_6 : vector<1000x1xf32>
    %rsqrt3A = math.rsqrt %add3A_7 : vector<1000x1xf32>
    %swap3A = arith.constant 0 : index
    %swap3A_8 = arith.constant 0 : index
    %swap3A_9 = vector.load %arg6[%swap3A, %swap3A_8] : memref<1000x1xf32, #tpu.memory_space<vmem>>, vector<1000x1xf32>
    tpu.vector_store %arg6[%swap3A, %swap3A_8], %rsqrt3A {strides = array<i32>} : memref<1000x1xf32, #tpu.memory_space<vmem>>, vector<1000x1xf32>,
    %get3A_10 = arith.constant 0 : index
    %get3A_11 = arith.constant 0 : index
    %get3A_12 = vector.load %arg1[%get3A_10, %get3A_11] : memref<1000x256xf32, #tpu.memory_space<vmem>>, vector<1000x256xf32>
    %get3A_13 = arith.constant 0 : index
    %get3A_14 = arith.constant 0 : index
    %get3A_15 = vector.load %arg2[%get3A_13, %get3A_14] : memref<256x256xf32, #tpu.memory_space<vmem>>, vector<256x256xf32>
    %dot_general3A = arith.constant dense<0.000000e+00> : vector<1000x256xf32>
    %dot_general3A_16 = tpu.matmul %get3A_12, %get3A_15, %dot_general3A {dimension_numbers = #tpu.dot_dimension_numbers<[1], [0], [0], [1], [0, 0, 1, 1], [], []>, transpose_lhs_hint = false} : vector<1000x256xf32>, vector<256x256xf32>, vector<1000x256xf32> -> vector<1000x256xf32>
    %mul3A = vector.broadcast %rsqrt3A : vector<1000x1xf32> to vector<1000x256xf32>
    %mul3A_17 = arith.mulf %dot_general3A_16, %mul3A : vector<1000x256xf32>
    %slice3A = vector.extract_strided_slice %mul3A_17 {offsets = [0, 0], sizes = [1000, 128], strides = [1, 1]} : vector<1000x256xf32> to vector<1000x128xf32>
    %swap3A_18 = arith.constant 0 : index
    %swap3A_19 = arith.constant 0 : index
    %swap3A_20 = arith.constant 0 : index
    %swap3A_21 = vector.load %arg5[%swap3A_18, %swap3A_19, %swap3A_20] : memref<2x1000x128xf32, #tpu.memory_space<vmem>>, vector<1x1000x128xf32>
    %swap3A_22 = vector.shape_cast %swap3A_21 : vector<1x1000x128xf32> to vector<1000x128xf32>
    %swap3A_23 = vector.shape_cast %slice3A : vector<1000x128xf32> to vector<1x1000x128xf32>
    tpu.vector_store %arg5[%swap3A_18, %swap3A_19, %swap3A_20], %swap3A_23 {strides = array<i32>} : memref<2x1000x128xf32, #tpu.memory_space<vmem>>, vector<1x1000x128xf32>,
    %slice3A_24 = vector.extract_strided_slice %mul3A_17 {offsets = [0, 128], sizes = [1000, 128], strides = [1, 1]} : vector<1000x256xf32> to vector<1000x128xf32>
    %swap3A_25 = arith.constant 1 : index
    %swap3A_26 = arith.constant 0 : index
    %swap3A_27 = arith.constant 0 : index
    %swap3A_28 = vector.load %arg5[%swap3A_25, %swap3A_26, %swap3A_27] : memref<2x1000x128xf32, #tpu.memory_space<vmem>>, vector<1x1000x128xf32>
    %swap3A_29 = vector.shape_cast %swap3A_28 : vector<1x1000x128xf32> to vector<1000x128xf32>
    %swap3A_30 = vector.shape_cast %slice3A_24 : vector<1000x128xf32> to vector<1x1000x128xf32>
    tpu.vector_store %arg5[%swap3A_25, %swap3A_26, %swap3A_27], %swap3A_30 {strides = array<i32>} : memref<2x1000x128xf32, #tpu.memory_space<vmem>>, vector<1x1000x128xf32>,
    return
  }
  func.func @transform_0(%arg0: i32) -> (i32, i32) {
    %c0_i32 = arith.constant 0 : i32
    %c0_i32_0 = arith.constant 0 : i32
    return %arg0, %c0_i32 : i32, i32
  }
  func.func @transform_1(%arg0: i32) -> (i32, i32) {
    %c0_i32 = arith.constant 0 : i32
    %c0_i32_0 = arith.constant 0 : i32
    %c0_i32_1 = arith.constant 0 : i32
    return %c0_i32, %c0_i32_0 : i32, i32
  }
  func.func @transform_2(%arg0: i32) -> (i32, i32) {
    %c0_i32 = arith.constant 0 : i32
    %c0_i32_0 = arith.constant 0 : i32
    return %arg0, %c0_i32 : i32, i32
  }
  func.func @transform_3(%arg0: i32) -> (i32, i32) {
    %c0_i32 = arith.constant 0 : i32
    %c0_i32_0 = arith.constant 0 : i32
    return %arg0, %c0_i32 : i32, i32
  }
  func.func @transform_4(%arg0: i32) -> (i32, i32, i32) {
    %c0_i32 = arith.constant 0 : i32
    %c0_i32_0 = arith.constant 0 : i32
    %c0_i32_1 = arith.constant 0 : i32
    return %c0_i32, %arg0, %c0_i32_0 : i32, i32, i32
  }
  func.func @transform_5(%arg0: i32) -> (i32, i32) {
    %c0_i32 = arith.constant 0 : i32
    %c0_i32_0 = arith.constant 0 : i32
    return %arg0, %c0_i32 : i32, i32
  }
}

module attributes {stable_mosaic.version = 14 : i64} {
  func.func @body(%arg0: i32, %arg1: memref<2x1000x128xf32, #tpu.memory_space<vmem>>, %arg2: memref<1000x1xf32, #tpu.memory_space<vmem>>, %arg3: memref<1x256xf32, #tpu.memory_space<vmem>>, %arg4: memref<1x256xf32, #tpu.memory_space<vmem>>, %arg5: memref<1x256xf32, #tpu.memory_space<vmem>>, %arg6: memref<1000x256xf32, #tpu.memory_space<vmem>>) attributes {dimension_semantics = [#tpu.dimension_semantics<arbitrary>], iteration_bounds = array<i64: 10>, scalar_prefetch = 0 : i64, scratch_operands = 0 : i64, tpu.core_type = #tpu.core_type<tc>, window_params = [{transform_indices = @transform_0, window_bounds = array<i64: 2, 1000, 128>}, {transform_indices = @transform_1, window_bounds = array<i64: 1000, 1>}, {pipeline_mode = #tpu.pipeline_mode<synchronous>, transform_indices = @transform_2, window_bounds = array<i64: 1, 256>}, {pipeline_mode = #tpu.pipeline_mode<synchronous>, transform_indices = @transform_3, window_bounds = array<i64: 1, 256>}, {pipeline_mode = #tpu.pipeline_mode<synchronous>, transform_indices = @transform_4, window_bounds = array<i64: 1, 256>}, {transform_indices = @transform_5, window_bounds = array<i64: 1000, 256>}]} {
    %get3A = arith.constant 0 : index
    %get3A_0 = arith.constant 0 : index
    %get3A_1 = vector.load %arg2[%get3A, %get3A_0] : memref<1000x1xf32, #tpu.memory_space<vmem>>, vector<1000x1xf32>
    %get3A_2 = arith.constant 0 : index
    %get3A_3 = arith.constant 0 : index
    %get3A_4 = arith.constant 0 : index
    %get3A_5 = vector.load %arg1[%get3A_2, %get3A_3, %get3A_4] : memref<2x1000x128xf32, #tpu.memory_space<vmem>>, vector<1x1000x128xf32>
    %get3A_6 = vector.shape_cast %get3A_5 : vector<1x1000x128xf32> to vector<1000x128xf32>
    %mul3A = vector.broadcast %get3A_1 : vector<1000x1xf32> to vector<1000x128xf32>
    %mul3A_7 = arith.mulf %get3A_6, %mul3A : vector<1000x128xf32>
    %get3A_8 = arith.constant 0 : index
    %get3A_9 = arith.constant 0 : index
    %get3A_10 = vector.load %arg3[%get3A_8, %get3A_9] : memref<1x256xf32, #tpu.memory_space<vmem>>, vector<1x128xf32>
    %add3A = vector.broadcast %get3A_10 : vector<1x128xf32> to vector<1000x128xf32>
    %add3A_11 = arith.addf %mul3A_7, %add3A : vector<1000x128xf32>
    %ge3A = arith.constant 0.000000e+00 : f32
    %ge3A_12 = vector.broadcast %ge3A : f32 to vector<1000x128xf32>
    %ge3A_13 = arith.cmpf oge, %add3A_11, %ge3A_12 : vector<1000x128xf32>
    %mul3A_14 = arith.constant 0.00999999977 : f32
    %mul3A_15 = vector.broadcast %mul3A_14 : f32 to vector<1000x128xf32>
    %mul3A_16 = arith.mulf %mul3A_15, %add3A_11 : vector<1000x128xf32>
    %select_n3A = arith.select %ge3A_13, %add3A_11, %mul3A_16 : vector<1000x128xi1>, vector<1000x128xf32>
    %get3A_17 = arith.constant 0 : index
    %get3A_18 = arith.constant 0 : index
    %get3A_19 = vector.load %arg4[%get3A_17, %get3A_18] : memref<1x256xf32, #tpu.memory_space<vmem>>, vector<1x128xf32>
    %mul3A_20 = arith.constant 0.999994993 : f32
    %mul3A_21 = vector.broadcast %mul3A_20 : f32 to vector<1x128xf32>
    %mul3A_22 = arith.mulf %get3A_19, %mul3A_21 : vector<1x128xf32>
    %mul3A_23 = vector.broadcast %mul3A_22 : vector<1x128xf32> to vector<1000x128xf32>
    %mul3A_24 = arith.mulf %select_n3A, %mul3A_23 : vector<1000x128xf32>
    %get3A_25 = arith.constant 0 : index
    %get3A_26 = arith.constant 0 : index
    %get3A_27 = vector.load %arg5[%get3A_25, %get3A_26] : memref<1x256xf32, #tpu.memory_space<vmem>>, vector<1x128xf32>
    %add3A_28 = vector.broadcast %get3A_27 : vector<1x128xf32> to vector<1000x128xf32>
    %add3A_29 = arith.addf %mul3A_24, %add3A_28 : vector<1000x128xf32>
    %swap3A = arith.constant 0 : index
    %swap3A_30 = arith.constant 0 : index
    %swap3A_31 = vector.load %arg6[%swap3A, %swap3A_30] : memref<1000x256xf32, #tpu.memory_space<vmem>>, vector<1000x128xf32>
    tpu.vector_store %arg6[%swap3A, %swap3A_30], %add3A_29 {strides = array<i32>} : memref<1000x256xf32, #tpu.memory_space<vmem>>, vector<1000x128xf32>,
    %get3A_32 = arith.constant 1 : index
    %get3A_33 = arith.constant 0 : index
    %get3A_34 = arith.constant 0 : index
    %get3A_35 = vector.load %arg1[%get3A_32, %get3A_33, %get3A_34] : memref<2x1000x128xf32, #tpu.memory_space<vmem>>, vector<1x1000x128xf32>
    %get3A_36 = vector.shape_cast %get3A_35 : vector<1x1000x128xf32> to vector<1000x128xf32>
    %mul3A_37 = vector.broadcast %get3A_1 : vector<1000x1xf32> to vector<1000x128xf32>
    %mul3A_38 = arith.mulf %get3A_36, %mul3A_37 : vector<1000x128xf32>
    %get3A_39 = arith.constant 0 : index
    %get3A_40 = arith.constant 128 : index
    %get3A_41 = vector.load %arg3[%get3A_39, %get3A_40] : memref<1x256xf32, #tpu.memory_space<vmem>>, vector<1x128xf32>
    %add3A_42 = vector.broadcast %get3A_41 : vector<1x128xf32> to vector<1000x128xf32>
    %add3A_43 = arith.addf %mul3A_38, %add3A_42 : vector<1000x128xf32>
    %ge3A_44 = arith.constant 0.000000e+00 : f32
    %ge3A_45 = vector.broadcast %ge3A_44 : f32 to vector<1000x128xf32>
    %ge3A_46 = arith.cmpf oge, %add3A_43, %ge3A_45 : vector<1000x128xf32>
    %mul3A_47 = arith.constant 0.00999999977 : f32
    %mul3A_48 = vector.broadcast %mul3A_47 : f32 to vector<1000x128xf32>
    %mul3A_49 = arith.mulf %mul3A_48, %add3A_43 : vector<1000x128xf32>
    %select_n3A_50 = arith.select %ge3A_46, %add3A_43, %mul3A_49 : vector<1000x128xi1>, vector<1000x128xf32>
    %get3A_51 = arith.constant 0 : index
    %get3A_52 = arith.constant 128 : index
    %get3A_53 = vector.load %arg4[%get3A_51, %get3A_52] : memref<1x256xf32, #tpu.memory_space<vmem>>, vector<1x128xf32>
    %mul3A_54 = arith.constant 0.999994993 : f32
    %mul3A_55 = vector.broadcast %mul3A_54 : f32 to vector<1x128xf32>
    %mul3A_56 = arith.mulf %get3A_53, %mul3A_55 : vector<1x128xf32>
    %mul3A_57 = vector.broadcast %mul3A_56 : vector<1x128xf32> to vector<1000x128xf32>
    %mul3A_58 = arith.mulf %select_n3A_50, %mul3A_57 : vector<1000x128xf32>
    %get3A_59 = arith.constant 0 : index
    %get3A_60 = arith.constant 128 : index
    %get3A_61 = vector.load %arg5[%get3A_59, %get3A_60] : memref<1x256xf32, #tpu.memory_space<vmem>>, vector<1x128xf32>
    %add3A_62 = vector.broadcast %get3A_61 : vector<1x128xf32> to vector<1000x128xf32>
    %add3A_63 = arith.addf %mul3A_58, %add3A_62 : vector<1000x128xf32>
    %swap3A_64 = arith.constant 0 : index
    %swap3A_65 = arith.constant 128 : index
    %swap3A_66 = vector.load %arg6[%swap3A_64, %swap3A_65] : memref<1000x256xf32, #tpu.memory_space<vmem>>, vector<1000x128xf32>
    tpu.vector_store %arg6[%swap3A_64, %swap3A_65], %add3A_63 {strides = array<i32>} : memref<1000x256xf32, #tpu.memory_space<vmem>>, vector<1000x128xf32>,
    return
  }
  func.func @transform_0(%arg0: i32) -> (i32, i32, i32) {
    %c0_i32 = arith.constant 0 : i32
    %c0_i32_0 = arith.constant 0 : i32
    %c0_i32_1 = arith.constant 0 : i32
    return %c0_i32, %arg0, %c0_i32_0 : i32, i32, i32
  }
  func.func @transform_1(%arg0: i32) -> (i32, i32) {
    %c0_i32 = arith.constant 0 : i32
    %c0_i32_0 = arith.constant 0 : i32
    return %arg0, %c0_i32 : i32, i32
  }
  func.func @transform_2(%arg0: i32) -> (i32, i32) {
    %c0_i32 = arith.constant 0 : i32
    %c0_i32_0 = arith.constant 0 : i32
    %c0_i32_1 = arith.constant 0 : i32
    return %c0_i32, %c0_i32_0 : i32, i32
  }
  func.func @transform_3(%arg0: i32) -> (i32, i32) {
    %c0_i32 = arith.constant 0 : i32
    %c0_i32_0 = arith.constant 0 : i32
    %c0_i32_1 = arith.constant 0 : i32
    return %c0_i32, %c0_i32_0 : i32, i32
  }
  func.func @transform_4(%arg0: i32) -> (i32, i32) {
    %c0_i32 = arith.constant 0 : i32
    %c0_i32_0 = arith.constant 0 : i32
    %c0_i32_1 = arith.constant 0 : i32
    return %c0_i32, %c0_i32_0 : i32, i32
  }
  func.func @transform_5(%arg0: i32) -> (i32, i32) {
    %c0_i32 = arith.constant 0 : i32
    %c0_i32_0 = arith.constant 0 : i32
    return %arg0, %c0_i32 : i32, i32
  }
}

</mosaic_0001>

<sc_bundles>
// kernel: kernel.6.cloned.1.call-start
scs
__scs_entry_jumppad:
0x0: {  	(pc) =	sbr.rel $0x88, $3  }
0x1: {  	(tag) =	ssettag $0x0;
	lr =	simm.s32 $0x1  }
0x2: {  	[smem:$0x3F9B] =	sst lr;
	_ =	strace $0xD0000000  }
0x3: {  	_ = 	snop  }
0x4: {  	_ = 	snop  }
0x5: {  	_ = 	snop  }
0x6: {  	_ = 	snop  }
0x7: {  	_ = 	snop  }
__scs_overlays_trampoline_lowered:
0x8: {  	[smem:$0x3FAA] =	sst s0  }
0x9: {  	[smem:$0x3FAB] =	sst s1  }
0xa: {  	[smem:$0x3FAC] =	sst s2  }
0xb: {  	[smem:$0x3FAD] =	sst s3  }
0xc: {  	[smem:$0x3FAE] =	sst s4  }
0xd: {  	[smem:$0x3FAF] =	sst s5  }
0xe: {  	[smem:$0x3FB0] =	sst s6  }
0xf: {  	[smem:$0x3FB1] =	sst s7  }
0x10: {  	[smem:$0x3FB2] =	sst s8  }
0x11: {  	[smem:$0x3FB3] =	sst s9;
	s0 =	simm.s32 @!p0 $0x0  }
0x12: {  	s1 =	sld [smem:$0x3F99];
	s0 =	simm.s32 @p0 $0x1  }
0x13: {  	[smem:$0x3FB4] =	sst s0;
	s0 =	simm.s32 @!p1 $0x0  }
0x14: {  	s2 =	sld [smem:$0x3F98];
	s0 =	simm.s32 @p1 $0x1  }
0x15: {  	[smem:$0x3FB5] =	sst s0;
	s0 =	simm.s32 @!p2 $0x0  }
0x16: {  	s3 =	sld [smem:$0x3FDB];
	s0 =	simm.s32 @p2 $0x1  }
0x17: {  	s4 =	simm.s32 $0x1BF5;
	[smem:$0x3FB7] =	sst s0  }
0x18: {  	s0 =	sld [smem:$0x3F9A];
	_ =	swait.ge [sflag:s4], $0x0  }
0x19: {  	s7 =	sld [smem:$0x3F9B]  }
0x1a: {  	s8 =	sadd.s32 $0xFFFFE003, lr  }
0x1b: {  	s9 =	sadd.s32 $0xFFFFFEF7, lr;
	s5 =	simm.s32 $0xFFFFFFFF;
	p2 =	slt.u32 s8, $0xFFFFF086  }
0x1c: {  	p1 =	slt.u32 s9, $0xF7A;
	s5 =	simm.s32 @!p2 $0x0  }
0x1d: {  	s5 =	simm.s32 @p1 $0x1;
	p0 =	seq.s32 s7, s2  }
0x1e: {  	s7 =	smul.u32 @!p0 $0xF7A, s2;
	p2 =	seq.s32 @!p0 s5, $0x0  }
0x1f: {  	s9 =	smul.u32 $0xF7A, s1;
	s8 =	simm.s32 @!p0 $0x1BF5;
	p2 =	por !p2, p0  }
0x20: {  	[sflag:s8] =	ssyncset.s32 @!p0 $0xFFFFF086;
	s6 =	sadd.s32 @!p0 s3, s7;
	s7 =	simm.s32 @!p0 $0x108  }
0x21: {  	s3 =	sadd.s32 s3, s9;
	s6 =	sadd.s32 @!p0 $0x88, s6;
	s7 =	simm.s32 @p2 $0x1082  }
0x22: {  	[simem:s7], [sflag:s8] =	dma.local @!p0 [hbm:s6], $0xF7A  }
0x23: {  	s9 =	sor.u32 $0xD0000000, s2;
	s6 =	simm.s32 $0x108;
	_ =	swait.ge @!p0 [sflag:s8], $0x0  }
0x24: {  	s3 =	sadd.s32 $0x88, s3;
	s6 =	simm.s32 @!p1 $0x1082;
	[sflag:s4] =	ssyncset.s32 $0xFFFFF086  }
0x25: {  	[simem:s6], [sflag:s4] =	dma.local [hbm:s3], $0xF7A  }
0x26: {  	[smem:$0x3F9B] =	sst s1;
	(tag) =	ssettag s2;
	_ =	strace s9  }
0x27: {  	s1 =	sld [smem:$0x3FAB]  }
0x28: {  	s2 =	sld [smem:$0x3FAC]  }
0x29: {  	s4 =	sld [smem:$0x3FAE]  }
0x2a: {  	p0 =	seq.s32 s5, $0x0;
	s5 =	sld [smem:$0x3FAF]  }
0x2b: {  	s6 =	sld [smem:$0x3FB0]  }
0x2c: {  	s7 =	sld [smem:$0x3FB1]  }
0x2d: {  	s3 =	simm.s32 $0x108;
	s8 =	sld [smem:$0x3FB2]  }
0x2e: {  	s3 =	simm.s32 @!p0 $0x1082;
	s9 =	sld [smem:$0x3FB3]  }
0x2f: {  	lr =	sadd.s32 s0, s3;
	s0 =	sld [smem:$0x3FAA]  }
0x30: {  	s3 =	sld [smem:$0x3FAD]  }
0x31: {  	[smem:$0x3FB6] =	sst s10  }
0x32: {  	s10 =	sld [smem:$0x3FB4];
	_ =	sdelay $0x3  }
0x33: {  	p0 =	seq.s32 s10, $0x1;
	s10 =	sld [smem:$0x3FB6];
	_ =	sdelay $0x3  }
0x34: {  	[smem:$0x3FB6] =	sst s10  }
0x35: {  	s10 =	sld [smem:$0x3FB5];
	_ =	sdelay $0x3  }
0x36: {  	p1 =	seq.s32 s10, $0x1;
	s10 =	sld [smem:$0x3FB6];
	_ =	sdelay $0x3  }
0x37: {  	[smem:$0x3FB6] =	sst s10  }
0x38: {  	s10 =	sld [smem:$0x3FB7]  }
0x39: {  	_ = 	snop;
	(pc) =	sbr.ind lr, $3  }
0x3a: {  	_ = 	snop  }
0x3b: {  	_ = 	snop  }
0x3c: {  	p2 =	seq.s32 s10, $0x1;
	s10 =	sld [smem:$0x3FB6]  }
0x3d: {  	_ =	shalt  }
0x3e: {  	_ =	shalt  }
0x3f: {  	_ =	shalt  }
0x40: {  	_ =	shalt  }
0x41: {  	_ =	shalt  }
0x42: {  	_ =	shalt  }
0x43: {  	_ =	shalt  }
0x44: {  	_ =	shalt  }
0x45: {  	_ =	shalt  }
0x46: {  	_ =	shalt  }
0x47: {  	_ =	shalt  }
0x48: {  	_ =	shalt  }
0x49: {  	_ =	shalt  }
0x4a: {  	_ =	shalt  }
0x4b: {  	_ =	shalt  }
0x4c: {  	_ =	shalt  }
0x4d: {  	_ =	shalt  }
0x4e: {  	_ =	shalt  }
0x4f: {  	_ =	shalt  }
0x50: {  	_ =	shalt  }
0x51: {  	_ =	shalt  }
0x52: {  	_ =	shalt  }
0x53: {  	_ =	shalt  }
0x54: {  	_ =	shalt  }
0x55: {  	_ =	shalt  }
0x56: {  	_ =	shalt  }
0x57: {  	_ =	shalt  }
0x58: {  	_ =	shalt  }
0x59: {  	_ =	shalt  }
0x5a: {  	_ =	shalt  }
0x5b: {  	_ =	shalt  }
0x5c: {  	_ =	shalt  }
0x5d: {  	_ =	shalt  }
0x5e: {  	_ =	shalt  }
0x5f: {  	_ =	shalt  }
0x60: {  	_ =	shalt  }
0x61: {  	_ =	shalt  }
0x62: {  	_ =	shalt  }
0x63: {  	_ =	shalt  }
0x64: {  	_ =	shalt  }
0x65: {  	_ =	shalt  }
0x66: {  	_ =	shalt  }
0x67: {  	_ =	shalt  }
0x68: {  	_ =	shalt  }
0x69: {  	_ =	shalt  }
0x6a: {  	_ =	shalt  }
0x6b: {  	_ =	shalt  }
0x6c: {  	_ =	shalt  }
0x6d: {  	_ =	shalt  }
0x6e: {  	_ =	shalt  }
0x6f: {  	_ =	shalt  }
0x70: {  	_ =	shalt  }
0x71: {  	_ =	shalt  }
0x72: {  	_ =	shalt  }
0x73: {  	_ =	shalt  }
0x74: {  	_ =	shalt  }
0x75: {  	_ =	shalt  }
0x76: {  	_ =	shalt  }
0x77: {  	_ =	shalt  }
0x78: {  	_ =	shalt  }
0x79: {  	_ =	shalt  }
0x7a: {  	_ =	shalt  }
0x7b: {  	_ =	shalt  }
0x7c: {  	_ =	shalt  }
0x7d: {  	_ =	shalt  }
0x7e: {  	_ =	shalt  }
0x7f: {  	_ =	shalt  }
0x80: {  	_ =	shalt  }
0x81: {  	_ =	shalt  }
0x82: {  	_ =	shalt  }
0x83: {  	_ =	shalt  }
0x84: {  	_ =	shalt  }
0x85: {  	_ =	shalt  }
0x86: {  	_ =	shalt  }
0x87: {  	_ =	shalt  }
.Lfunc_end0:
.L_simem_size_0:
called_computation_lowered:
.L_overlay_start_0:
0x88: {  	s2 =	sld [smem:$0x3FD9]  }
0x89: {  	s3 =	sld [smem:$0x3FFE];
	_ =	sdelay $0x1  }
0x8a: {  	s1 =	srdreg.scid  }
0x8b: {  	s0 =	sand.u32 $0x1, s1  }
0x8c: {  	s17 =	sshll.u32 s0, $0xA;
	s2 =	sadd.s32 s3, s2  }
0x8d: {  	s2 =	sadd.s32 s2, s17  }
0x8e: {  	[smem:$0x3FC2] =	sst s2  }
0x8f: {  	_ = 	snop  }
0x90: {  	s2 =	sld [smem:$0x3FD0];
	(tm) =	ssettm $0x1  }
0x91: {  	s18 =	sld [smem:$0x3FFB];
	_ =	sdelay $0x3  }
0x92: {  	_ =	strace s18  }
0x93: {  	s3 =	sld [smem:$0x3FFC];
	_ =	sdelay $0x3  }
0x94: {  	_ =	strace s3  }
0x95: {  	s3 =	sld [smem:$0x3FFD];
	_ =	sdelay $0x3  }
0x96: {  	_ =	strace s3  }
0x97: {  	_ =	strace $0x8FFFFFFF  }
0x98: {  	s19 =	sld [smem:$0x3FDB];
	_ =	sdelay $0x1  }
0x99: {  	s4 =	simm.s32 $_scs_section_size  }
0x9a: {  	s5 =	simm.s32 $_size__tile_overlayer_lowered;
	s6 =	simm.s32 $_tile_overlayer_lowered  }
0x9b: {  	s22 =	simm.s32 $0x1BFF;
	s21 =	sshll.u32 s6, $0x1;
	s3 =	sadd.s32 s4, s19  }
0x9c: {  	s7 =	simm.s32 $0x0;
	s20 =	sshll.u32 s5, $0x1;
	s5 =	sadd.s32 s21, s3  }
0x9d: {  	[timem:s7], [sflag:s22] =	dma.local [hbm:s5], s20  }
0x9e: {  	_ =	swait.ge [sflag:s22], s20  }
0x9f: {  	s4 =	ssub.s32 $0x0, s20;
	[sflag:s22] =	ssyncset.done $0x0  }
0xa0: {  	[sflag:s22] =	ssyncadd.s32 s4;
	_ =	sdelay $0x1  }
0xa1: {  	s23 =	simm.s32 $0x1B8B  }
0xa2: {  	_ =	swait.ge [sflag:s23], $0x1  }
0xa3: {  	[sflag:s23] =	ssyncset.done $0x0  }
0xa4: {  	s25 =	simm.s32 $0x1B8E;
	s24 =	sld [smem:$0x3FFE];
	[sflag:s23] =	ssyncadd.s32 $0xFFFFFFFF  }
0xa5: {  	s26 =	simm.s32 $execute0_lowered;
	[smem:$0x3FD2] =	sst s25  }
0xa6: {  	s5 =	sshll.u32 s26, $0x1;
	_ =	strace $0x80000046;
	[dreg:$0x1] =	wrdreg $0xFFFFFFFF  }
0xa7: {  	s28 =	simm.s32 $_size_execute0_lowered;
	s3 =	sadd.s32 s3, s5;
	[dreg:$0x0] =	wrdreg $0x0  }
0xa8: {  	s5 =	sshll.u32 s28, $0x1;
	[dreg:$0x2] =	wrdreg s3  }
0xa9: {  	[dreg:$0x3] =	wrdreg s5  }
0xaa: {  	[dreg:$0x4] =	wrdreg $0xC0  }
0xab: {  	_ =	task [dreg:s7], $0x5FFFF  }
0xac: {  	[dreg:$0x1] =	wrdreg $0xFFFFFFFF  }
0xad: {  	[dreg:$0x0] =	wrdreg $0x60  }
0xae: {  	[dreg:$0x2] =	wrdreg s24  }
0xaf: {  	[dreg:$0x3] =	wrdreg s2  }
0xb0: {  	[dreg:$0x4] =	wrdreg $0x0  }
0xb1: {  	[dreg:$0x5] =	wrdreg $0x9  }
0xb2: {  	_ =	task.clear_ibuf [dreg:s7], $0x6FFFF;
	_ =	strace $0x90000046  }
0xb3: {  	s29 =	simm.s32 $0x9;
	_ =	strace $0x80000048  }
0xb4: {  	_ =	swait.ge [sflag:s29], $0x1  }
0xb5: {  	[sflag:s29] =	ssyncadd.s32 $0xFFFFFFFF  }
0xb6: {  	_ =	strace $0x90000048  }
0xb7: {  	_ =	sfence  }
0xb8: {  	s30 =	sld [smem:$0x0];
	_ =	sdelay $0x2  }
0xb9: {  	s31 =	sshll.u32 s1, $0xD;
	s1 =	sshrl.u32 s1, $0x2  }
0xba: {  	s3 =	sand.u32 $0x4000, s31;
	s1 =	sadd.s32 s1, s30  }
0xbb: {  	s0 =	sor.u32 s3, s0;
	s1 =	sshll.u32 s1, $0x11  }
0xbc: {  	s0 =	sor.u32 s1, s0  }
0xbd: {  	s0 =	sadd.s32 $0x8F2B, s0  }
0xbe: {  	[sflag:s0] =	ssyncadd.remote.s32 $0x1  }
0xbf: {  	_ =	sfence.sel $0xFFFF  }
0xc0: {  	[dreg:$0x0] =	wrdreg $0xFFFFFFFF;
	(pc) =	sbr.abs _section_cstart, $3  }
0xc1: {  	[dreg:$0x1] =	wrdreg $0xFFFFFFFF  }
0xc2: {  	_ =	task.clear_ibuf [dreg:s7], $0x2FFFF;
	_ =	strace $0x9FFFFFFF  }
0xc3: {  	(tm) =	ssettm $0x7FFFFFFF  }
tec
execute0_lowered:
.L_overlay_start_1:
0x0: {  	(tag) =	ssettag $0x1  }
0x1: {  	s4 =	rddreg [dreg:$0x0]  }
0x2: {  	s0 =	srdreg.scid;
	s7 =	rddreg [dreg:$0x1]  }
0x3: {  	s2 =	rddreg [dreg:$0x2];
	s1 =	stileid.u32  }
0x4: {  	s3 =	simm.s32 $0x0;
	s5 =	sand.u32 $0x1, s0;
	s0 =	rddreg [dreg:$0x3]  }
0x5: {  	s12 =	simm.s32 $0x1680;
	s15 =	simm.s32 $0x0;
	[smem:$0x7FF] =	sst s3  }
0x6: {  	s10 =	smul.u32 $0x280, s1;
	s11 =	sadd.s32 $0x6200, s4;
	s13 =	sshll.u32 s1, $0x6  }
0x7: {  	s6 =	sshll.u32 s5, $0x4;
	_ =	strace $0x80000047;
	s8 =	ssub.s32 $0x2, s5  }
0x8: {  	p0 =	seq.s32 s5, $0x1;
	s13 =	sor.u32 $0x1C01, s13;
	s6 =	sor.u32 s1, s6  }
0x9: {  	s9 =	sshrl.u32 s8, $0x1;
	s31 =	sshrl.u32 s10, $0x3;
	s7 =	smov.u32 @p0 s11  }
0xa: {  	s5 =	sadd.s32 s10, s2;
	s10 =	simm.s32 $0x1700;
	s6 =	smul.u32 $0x280, s6  }
0xb: {  	s11 =	simm.s32 $0x80;
	s8 =	ssub.s32 s8, s9;
	s7 =	sadd.s32 s7, s31  }
0xc: {  	s9 =	simm.s32 $0x1;
	s14 =	sshrl.u32 s5, $0x3;
	s6 =	sadd.s32 s6, s4  }
0xd: {  	v0 =	vimm.f32 $0.0e+00;
	v1 =	vimm.f32 $1.000000000e+00;
	s4 =	sadd.s32 $0x1200, s6;
	s6 =	smax.u32 s8, $0x1;
	s8 =	simm.s32 $0x280  }
.LBB2_1:
0xe: {  	[tilespmem:s8], [sflag:$0x1] =	stream.linear.gather [hbm4b:s4+s3], $0x1400, $0x38;
	[tilespmem:$0x1980] =	vst v63  }
0xf: {  	_ =	swait.ge [sflag:s9], $0x1400  }
0x10: {  	[sflag:s9] =	ssyncset.done $0x0  }
0x11: {  	[sflag:s9] =	ssyncadd.s32 $0xFFFFEC00  }
0x12: {  	[tilespmem:$0x1700] =	vst v0  }
0x13: {  	[tilespmem:$0x1710] =	vst v0  }
0x14: {  	[tilespmem:$0x1720] =	vst v0  }
0x15: {  	[tilespmem:$0x1730] =	vst v0  }
0x16: {  	[tilespmem:$0x1740] =	vst v0  }
0x17: {  	[tilespmem:$0x1750] =	vst v0  }
0x18: {  	[tilespmem:$0x1760] =	vst v0  }
0x19: {  	[tilespmem:$0x1770] =	vst v0  }
0x1a: {  	[tilespmem:$0x1780] =	vst v0  }
0x1b: {  	[tilespmem:$0x1790] =	vst v0  }
0x1c: {  	[tilespmem:$0x17A0] =	vst v0  }
0x1d: {  	[tilespmem:$0x17B0] =	vst v0  }
0x1e: {  	[tilespmem:$0x17C0] =	vst v0  }
0x1f: {  	[tilespmem:$0x17D0] =	vst v0  }
0x20: {  	[tilespmem:$0x17E0] =	vst v0  }
0x21: {  	[tilespmem:$0x17F0] =	vst v0  }
0x22: {  	[tilespmem:$0x1800] =	vst v0  }
0x23: {  	[tilespmem:$0x1810] =	vst v0  }
0x24: {  	[tilespmem:$0x1820] =	vst v0  }
0x25: {  	[tilespmem:$0x1830] =	vst v0  }
0x26: {  	[tilespmem:$0x1840] =	vst v0  }
0x27: {  	[tilespmem:$0x1850] =	vst v0  }
0x28: {  	[tilespmem:$0x1860] =	vst v0  }
0x29: {  	[tilespmem:$0x1870] =	vst v0  }
0x2a: {  	[tilespmem:$0x1880] =	vst v0  }
0x2b: {  	[tilespmem:$0x1890] =	vst v0  }
0x2c: {  	[tilespmem:$0x18A0] =	vst v0  }
0x2d: {  	[tilespmem:$0x18B0] =	vst v0  }
0x2e: {  	[tilespmem:$0x18C0] =	vst v0  }
0x2f: {  	[tilespmem:$0x18D0] =	vst v0  }
0x30: {  	[tilespmem:$0x18E0] =	vst v0  }
0x31: {  	[tilespmem:$0x18F0] =	vst v0  }
0x32: {  	[tilespmem:$0x1900] =	vst v0  }
0x33: {  	[tilespmem:$0x1910] =	vst v0  }
0x34: {  	[tilespmem:$0x1920] =	vst v0  }
0x35: {  	[tilespmem:$0x1930] =	vst v0  }
0x36: {  	[tilespmem:$0x1940] =	vst v0  }
0x37: {  	[tilespmem:$0x1950] =	vst v0  }
0x38: {  	[tilespmem:$0x1960] =	vst v0  }
0x39: {  	[tilespmem:$0x1970] =	vst v0  }
0x3a: {  	[spmem:s5] =	stream.linear.scatter [tilespmem:s10], [sflag:$0x1], $0x280, $0x38;
	[tilespmem:$0x1980] =	vst v63  }
0x3b: {  	_ =	swait.ge [sflag:s9], $0x280  }
0x3c: {  	[sflag:s9] =	ssyncset.done $0x0  }
0x3d: {  	[sflag:s9] =	ssyncadd.s32 $0xFFFFFD80  }
0x3e: {  	[tilespmem:$0x1680] =	vst v1  }
0x3f: {  	[tilespmem:$0x1690] =	vst v1  }
0x40: {  	[tilespmem:$0x16A0] =	vst v1  }
0x41: {  	[tilespmem:$0x16B0] =	vst v1  }
0x42: {  	[tilespmem:$0x16C0] =	vst v1  }
0x43: {  	[tilespmem:$0x16D0] =	vst v1  }
0x44: {  	[tilespmem:$0x16E0] =	vst v1  }
0x45: {  	[tilespmem:$0x16F0] =	vst v1  }
0x46: {  	s16 =	simm.s32 $0x280;
	[bflag:$0x0] =	sbarrier.arrive $0xFFFF  }
0x47: {  	[spmem:s2] =	stream.indirect.scatter.add.f32 [tilespmem:s12], [sflag:$0x1], $0x1, s16, s11, $0xb8;
	[tilespmem:$0x1980] =	vst v63  }
0x48: {  	s16 =	simm.s32 $0x200;
	_ =	swait.ge [sflag:s9], $0x80  }
.LBB2_2:
0x49: {  	s17 =	sshra.s32 s16, $0x2;
	[sflag:s9] =	ssyncset.done $0x0;
	p0 =	sne.s32 s16, $0x4E00  }
.Ltmp0:
0x4a: {  	s17 =	sadd.s32 $0x280, s17;
	[sflag:s9] =	ssyncadd.s32 $0xFFFFFF80;
	(pc) =	sbr.rel @p0 .LBB2_2-.Ltmp0, $3  }
0x4b: {  	[spmem:s2] =	stream.indirect.scatter.add.f32 [tilespmem:s12], [sflag:$0x1], $0x1, s17, s11, $0xb8;
	[tilespmem:$0x1980] =	vst v63  }
0x4c: {  	s16 =	sadd.s32 $0x200, s16;
	_ =	sdelay $0x1  }
0x4d: {  	_ =	swait.ge [sflag:s9], $0x80  }
0x4e: {  	[sflag:s9] =	ssyncset.done $0x0;
	s15 =	sadd.s32 $0x1, s15  }
0x4f: {  	[sflag:s9] =	ssyncadd.s32 $0xFFFFFF80;
	p0 =	sne.s32 s15, s6  }
.Ltmp1:
0x50: {  	[bflag:$0x0] =	sbarrier.arrive $0xFFFF;
	(pc) =	sbr.rel @p0 .LBB2_1-.Ltmp1, $4  }
0x51: {  	[hbm:s7], [sflag:s13] =	dma.local [spmem:s14], $0x50  }
0x52: {  	_ =	swait.ge [sflag:s9], $0x50  }
0x53: {  	[sflag:s9] =	ssyncset.done $0x0  }
0x54: {  	[sflag:s9] =	ssyncadd.s32 $0xFFFFFFB0  }
0x55: {  	_ =	sfence.sel $0x180000  }
0x56: {  	[bflag:$0x0] =	sbarrier.arrive $0xFFFF  }
0x57: {  	p0 =	sne.s32 s1, $0x0;
	_ =	strace $0x90000047  }
0x58: {  	s0 =	sadd.s32 @!p0 $0x100000, s0;
	[bflag:$0x2] =	sbarrier.arrive $0xFFFF  }
0x59: {  	[sflag:s0] =	ssyncadd.tile.s32 @!p0 $0x1;
	_ =	shalt  }
.Lfunc_end2:
_tile_overlayer_lowered:
.L_overlay_start_2:
0x5a: {  	(tag) =	ssettag $0x2  }
0x5b: {  	s0 =	rddreg [dreg:$0x0];
	s2 =	stileid.u32  }
0x5c: {  	s1 =	rddreg [dreg:$0x1];
	p0 =	sne.s32 s2, $0x0  }
0x5d: {  	s3 =	rddreg [dreg:$0x2];
	[bflag:$0x3] =	sbarrier.arrive $0xFFFF;
	s2 =	simm.s32 @!p0 $0x1C01  }
0x5e: {  	[timem:s3], [sflag:s2] =	dma.local @!p0 [hbm:s0], s1  }
0x5f: {  	s0 =	simm.s32 @!p0 $0x1  }
0x60: {  	_ =	swait.ge @!p0 [sflag:s0], s1  }
0x61: {  	s1 =	ssub.s32 @!p0 $0x0, s1;
	[sflag:s0] =	ssyncset.done @!p0 $0x0  }
0x62: {  	[sflag:s0] =	ssyncadd.s32 @!p0 s1  }
0x63: {  	[bflag:$0x3] =	sbarrier.arrive $0xFFFF  }
0x64: {  	_ =	shalt  }

// kernel: kernel.9.cloned.1.call-start
scs
__scs_entry_jumppad:
0x0: {  	(pc) =	sbr.rel $0x88, $3  }
0x1: {  	(tag) =	ssettag $0x0;
	lr =	simm.s32 $0x1  }
0x2: {  	[smem:$0x3F9B] =	sst lr;
	_ =	strace $0xD0000000  }
0x3: {  	_ = 	snop  }
0x4: {  	_ = 	snop  }
0x5: {  	_ = 	snop  }
0x6: {  	_ = 	snop  }
0x7: {  	_ = 	snop  }
__scs_overlays_trampoline_lowered:
0x8: {  	[smem:$0x3FAA] =	sst s0  }
0x9: {  	[smem:$0x3FAB] =	sst s1  }
0xa: {  	[smem:$0x3FAC] =	sst s2  }
0xb: {  	[smem:$0x3FAD] =	sst s3  }
0xc: {  	[smem:$0x3FAE] =	sst s4  }
0xd: {  	[smem:$0x3FAF] =	sst s5  }
0xe: {  	[smem:$0x3FB0] =	sst s6  }
0xf: {  	[smem:$0x3FB1] =	sst s7  }
0x10: {  	[smem:$0x3FB2] =	sst s8  }
0x11: {  	[smem:$0x3FB3] =	sst s9;
	s0 =	simm.s32 @!p0 $0x0  }
0x12: {  	s1 =	sld [smem:$0x3F99];
	s0 =	simm.s32 @p0 $0x1  }
0x13: {  	[smem:$0x3FB4] =	sst s0;
	s0 =	simm.s32 @!p1 $0x0  }
0x14: {  	s2 =	sld [smem:$0x3F98];
	s0 =	simm.s32 @p1 $0x1  }
0x15: {  	[smem:$0x3FB5] =	sst s0;
	s0 =	simm.s32 @!p2 $0x0  }
0x16: {  	s3 =	sld [smem:$0x3FDB];
	s0 =	simm.s32 @p2 $0x1  }
0x17: {  	s4 =	simm.s32 $0x1BF5;
	[smem:$0x3FB7] =	sst s0  }
0x18: {  	s0 =	sld [smem:$0x3F9A];
	_ =	swait.ge [sflag:s4], $0x0  }
0x19: {  	s7 =	sld [smem:$0x3F9B]  }
0x1a: {  	s8 =	sadd.s32 $0xFFFFE003, lr  }
0x1b: {  	s9 =	sadd.s32 $0xFFFFFEF7, lr;
	s5 =	simm.s32 $0xFFFFFFFF;
	p2 =	slt.u32 s8, $0xFFFFF086  }
0x1c: {  	p1 =	slt.u32 s9, $0xF7A;
	s5 =	simm.s32 @!p2 $0x0  }
0x1d: {  	s5 =	simm.s32 @p1 $0x1;
	p0 =	seq.s32 s7, s2  }
0x1e: {  	s7 =	smul.u32 @!p0 $0xF7A, s2;
	p2 =	seq.s32 @!p0 s5, $0x0  }
0x1f: {  	s9 =	smul.u32 $0xF7A, s1;
	s8 =	simm.s32 @!p0 $0x1BF5;
	p2 =	por !p2, p0  }
0x20: {  	[sflag:s8] =	ssyncset.s32 @!p0 $0xFFFFF086;
	s6 =	sadd.s32 @!p0 s3, s7;
	s7 =	simm.s32 @!p0 $0x108  }
0x21: {  	s3 =	sadd.s32 s3, s9;
	s6 =	sadd.s32 @!p0 $0x88, s6;
	s7 =	simm.s32 @p2 $0x1082  }
0x22: {  	[simem:s7], [sflag:s8] =	dma.local @!p0 [hbm:s6], $0xF7A  }
0x23: {  	s9 =	sor.u32 $0xD0000000, s2;
	s6 =	simm.s32 $0x108;
	_ =	swait.ge @!p0 [sflag:s8], $0x0  }
0x24: {  	s3 =	sadd.s32 $0x88, s3;
	s6 =	simm.s32 @!p1 $0x1082;
	[sflag:s4] =	ssyncset.s32 $0xFFFFF086  }
0x25: {  	[simem:s6], [sflag:s4] =	dma.local [hbm:s3], $0xF7A  }
0x26: {  	[smem:$0x3F9B] =	sst s1;
	(tag) =	ssettag s2;
	_ =	strace s9  }
0x27: {  	s1 =	sld [smem:$0x3FAB]  }
0x28: {  	s2 =	sld [smem:$0x3FAC]  }
0x29: {  	s4 =	sld [smem:$0x3FAE]  }
0x2a: {  	p0 =	seq.s32 s5, $0x0;
	s5 =	sld [smem:$0x3FAF]  }
0x2b: {  	s6 =	sld [smem:$0x3FB0]  }
0x2c: {  	s7 =	sld [smem:$0x3FB1]  }
0x2d: {  	s3 =	simm.s32 $0x108;
	s8 =	sld [smem:$0x3FB2]  }
0x2e: {  	s3 =	simm.s32 @!p0 $0x1082;
	s9 =	sld [smem:$0x3FB3]  }
0x2f: {  	lr =	sadd.s32 s0, s3;
	s0 =	sld [smem:$0x3FAA]  }
0x30: {  	s3 =	sld [smem:$0x3FAD]  }
0x31: {  	[smem:$0x3FB6] =	sst s10  }
0x32: {  	s10 =	sld [smem:$0x3FB4];
	_ =	sdelay $0x3  }
0x33: {  	p0 =	seq.s32 s10, $0x1;
	s10 =	sld [smem:$0x3FB6];
	_ =	sdelay $0x3  }
0x34: {  	[smem:$0x3FB6] =	sst s10  }
0x35: {  	s10 =	sld [smem:$0x3FB5];
	_ =	sdelay $0x3  }
0x36: {  	p1 =	seq.s32 s10, $0x1;
	s10 =	sld [smem:$0x3FB6];
	_ =	sdelay $0x3  }
0x37: {  	[smem:$0x3FB6] =	sst s10  }
0x38: {  	s10 =	sld [smem:$0x3FB7]  }
0x39: {  	_ = 	snop;
	(pc) =	sbr.ind lr, $3  }
0x3a: {  	_ = 	snop  }
0x3b: {  	_ = 	snop  }
0x3c: {  	p2 =	seq.s32 s10, $0x1;
	s10 =	sld [smem:$0x3FB6]  }
0x3d: {  	_ =	shalt  }
0x3e: {  	_ =	shalt  }
0x3f: {  	_ =	shalt  }
0x40: {  	_ =	shalt  }
0x41: {  	_ =	shalt  }
0x42: {  	_ =	shalt  }
0x43: {  	_ =	shalt  }
0x44: {  	_ =	shalt  }
0x45: {  	_ =	shalt  }
0x46: {  	_ =	shalt  }
0x47: {  	_ =	shalt  }
0x48: {  	_ =	shalt  }
0x49: {  	_ =	shalt  }
0x4a: {  	_ =	shalt  }
0x4b: {  	_ =	shalt  }
0x4c: {  	_ =	shalt  }
0x4d: {  	_ =	shalt  }
0x4e: {  	_ =	shalt  }
0x4f: {  	_ =	shalt  }
0x50: {  	_ =	shalt  }
0x51: {  	_ =	shalt  }
0x52: {  	_ =	shalt  }
0x53: {  	_ =	shalt  }
0x54: {  	_ =	shalt  }
0x55: {  	_ =	shalt  }
0x56: {  	_ =	shalt  }
0x57: {  	_ =	shalt  }
0x58: {  	_ =	shalt  }
0x59: {  	_ =	shalt  }
0x5a: {  	_ =	shalt  }
0x5b: {  	_ =	shalt  }
0x5c: {  	_ =	shalt  }
0x5d: {  	_ =	shalt  }
0x5e: {  	_ =	shalt  }
0x5f: {  	_ =	shalt  }
0x60: {  	_ =	shalt  }
0x61: {  	_ =	shalt  }
0x62: {  	_ =	shalt  }
0x63: {  	_ =	shalt  }
0x64: {  	_ =	shalt  }
0x65: {  	_ =	shalt  }
0x66: {  	_ =	shalt  }
0x67: {  	_ =	shalt  }
0x68: {  	_ =	shalt  }
0x69: {  	_ =	shalt  }
0x6a: {  	_ =	shalt  }
0x6b: {  	_ =	shalt  }
0x6c: {  	_ =	shalt  }
0x6d: {  	_ =	shalt  }
0x6e: {  	_ =	shalt  }
0x6f: {  	_ =	shalt  }
0x70: {  	_ =	shalt  }
0x71: {  	_ =	shalt  }
0x72: {  	_ =	shalt  }
0x73: {  	_ =	shalt  }
0x74: {  	_ =	shalt  }
0x75: {  	_ =	shalt  }
0x76: {  	_ =	shalt  }
0x77: {  	_ =	shalt  }
0x78: {  	_ =	shalt  }
0x79: {  	_ =	shalt  }
0x7a: {  	_ =	shalt  }
0x7b: {  	_ =	shalt  }
0x7c: {  	_ =	shalt  }
0x7d: {  	_ =	shalt  }
0x7e: {  	_ =	shalt  }
0x7f: {  	_ =	shalt  }
0x80: {  	_ =	shalt  }
0x81: {  	_ =	shalt  }
0x82: {  	_ =	shalt  }
0x83: {  	_ =	shalt  }
0x84: {  	_ =	shalt  }
0x85: {  	_ =	shalt  }
0x86: {  	_ =	shalt  }
0x87: {  	_ =	shalt  }
.Lfunc_end0:
.L_simem_size_0:
called_computation.1_lowered:
.L_overlay_start_0:
0x88: {  	s2 =	sld [smem:$0x3FD9]  }
0x89: {  	s3 =	sld [smem:$0x3FFE];
	_ =	sdelay $0x1  }
0x8a: {  	s1 =	srdreg.scid  }
0x8b: {  	s0 =	sand.u32 $0x1, s1  }
0x8c: {  	s17 =	sshll.u32 s0, $0xA;
	s2 =	sadd.s32 s3, s2  }
0x8d: {  	s2 =	sadd.s32 s2, s17  }
0x8e: {  	[smem:$0x3FC2] =	sst s2  }
0x8f: {  	_ = 	snop  }
0x90: {  	s2 =	sld [smem:$0x3FD0];
	(tm) =	ssettm $0x1  }
0x91: {  	s18 =	sld [smem:$0x3FFB];
	_ =	sdelay $0x3  }
0x92: {  	_ =	strace s18  }
0x93: {  	s3 =	sld [smem:$0x3FFC];
	_ =	sdelay $0x3  }
0x94: {  	_ =	strace s3  }
0x95: {  	s3 =	sld [smem:$0x3FFD];
	_ =	sdelay $0x3  }
0x96: {  	_ =	strace s3  }
0x97: {  	_ =	strace $0x8FFFFFFF  }
0x98: {  	s19 =	sld [smem:$0x3FDB];
	_ =	sdelay $0x1  }
0x99: {  	s4 =	simm.s32 $_scs_section_size  }
0x9a: {  	s5 =	simm.s32 $_size__tile_overlayer_lowered;
	s6 =	simm.s32 $_tile_overlayer_lowered  }
0x9b: {  	s22 =	simm.s32 $0x1BFF;
	s21 =	sshll.u32 s6, $0x1;
	s3 =	sadd.s32 s4, s19  }
0x9c: {  	s7 =	simm.s32 $0x0;
	s20 =	sshll.u32 s5, $0x1;
	s5 =	sadd.s32 s21, s3  }
0x9d: {  	[timem:s7], [sflag:s22] =	dma.local [hbm:s5], s20  }
0x9e: {  	_ =	swait.ge [sflag:s22], s20  }
0x9f: {  	s4 =	ssub.s32 $0x0, s20;
	[sflag:s22] =	ssyncset.done $0x0  }
0xa0: {  	[sflag:s22] =	ssyncadd.s32 s4;
	_ =	sdelay $0x1  }
0xa1: {  	s23 =	simm.s32 $0x1B8B  }
0xa2: {  	_ =	swait.ge [sflag:s23], $0x1  }
0xa3: {  	[sflag:s23] =	ssyncset.done $0x0  }
0xa4: {  	s25 =	simm.s32 $0x1B8E;
	s24 =	sld [smem:$0x3FFE];
	[sflag:s23] =	ssyncadd.s32 $0xFFFFFFFF  }
0xa5: {  	s26 =	simm.s32 $execute0_lowered;
	[smem:$0x3FD2] =	sst s25  }
0xa6: {  	s5 =	sshll.u32 s26, $0x1;
	_ =	strace $0x80000049;
	[dreg:$0x1] =	wrdreg $0xFFFFFFFF  }
0xa7: {  	s28 =	simm.s32 $_size_execute0_lowered;
	s3 =	sadd.s32 s3, s5;
	[dreg:$0x0] =	wrdreg $0x0  }
0xa8: {  	s5 =	sshll.u32 s28, $0x1;
	[dreg:$0x2] =	wrdreg s3  }
0xa9: {  	[dreg:$0x3] =	wrdreg s5  }
0xaa: {  	[dreg:$0x4] =	wrdreg $0xC0  }
0xab: {  	_ =	task [dreg:s7], $0x5FFFF  }
0xac: {  	[dreg:$0x1] =	wrdreg $0xFFFFFFFF  }
0xad: {  	[dreg:$0x0] =	wrdreg $0x60  }
0xae: {  	[dreg:$0x2] =	wrdreg s2  }
0xaf: {  	[dreg:$0x3] =	wrdreg s24  }
0xb0: {  	[dreg:$0x4] =	wrdreg $0x0  }
0xb1: {  	[dreg:$0x5] =	wrdreg $0x9  }
0xb2: {  	_ =	task.clear_ibuf [dreg:s7], $0x6FFFF;
	_ =	strace $0x90000049  }
0xb3: {  	s29 =	simm.s32 $0x9;
	_ =	strace $0x8000004B  }
0xb4: {  	_ =	swait.ge [sflag:s29], $0x1  }
0xb5: {  	[sflag:s29] =	ssyncadd.s32 $0xFFFFFFFF  }
0xb6: {  	_ =	strace $0x9000004B  }
0xb7: {  	_ =	sfence  }
0xb8: {  	s30 =	sld [smem:$0x0];
	_ =	sdelay $0x2  }
0xb9: {  	s31 =	sshll.u32 s1, $0xD;
	s1 =	sshrl.u32 s1, $0x2  }
0xba: {  	s3 =	sand.u32 $0x4000, s31;
	s1 =	sadd.s32 s1, s30  }
0xbb: {  	s0 =	sor.u32 s3, s0;
	s1 =	sshll.u32 s1, $0x11  }
0xbc: {  	s0 =	sor.u32 s1, s0  }
0xbd: {  	s0 =	sadd.s32 $0x8F2B, s0  }
0xbe: {  	[sflag:s0] =	ssyncadd.remote.s32 $0x1  }
0xbf: {  	_ =	sfence.sel $0xFFFF  }
0xc0: {  	[dreg:$0x0] =	wrdreg $0xFFFFFFFF;
	(pc) =	sbr.abs _section_cstart, $3  }
0xc1: {  	[dreg:$0x1] =	wrdreg $0xFFFFFFFF  }
0xc2: {  	_ =	task.clear_ibuf [dreg:s7], $0x2FFFF;
	_ =	strace $0x9FFFFFFF  }
0xc3: {  	(tm) =	ssettm $0x7FFFFFFF  }
tec
execute0_lowered:
.L_overlay_start_1:
0x0: {  	(tag) =	ssettag $0x1  }
0x1: {  	s4 =	rddreg [dreg:$0x0]  }
0x2: {  	s5 =	rddreg [dreg:$0x1]  }
0x3: {  	s2 =	rddreg [dreg:$0x2];
	s3 =	simm.s32 $0x0;
	s0 =	stileid.u32  }
0x4: {  	s7 =	srdreg.scid;
	s14 =	simm.s32 $0x7;
	s17 =	simm.s32 $0x80  }
0x5: {  	s18 =	simm.s32 $0x13B40;
	s19 =	simm.s32 $0x17CC0;
	s21 =	simm.s32 $0x138C0  }
0x6: {  	s22 =	simm.s32 $0x13CC0;
	[smem:$0x7FF] =	sst s3;
	s6 =	sshll.u32 s0, $0x4  }
0x7: {  	s23 =	sand.u32 $0x1, s7;
	s24 =	smul.u32 $0x4E000, s0;
	s8 =	sadd.s32 $0xB800, s5  }
0x8: {  	s10 =	smul.u32 $0x13800, s0;
	s30 =	sshll.u32 s0, $0x6;
	s15 =	sadd.s32 $0x138000, s2  }
0x9: {  	p0 =	sne.s32 s0, $0xF;
	_ =	strace $0x8000004A;
	s12 =	sadd.s32 s6, s5  }
0xa: {  	s25 =	ssub.s32 $0x2, s23;
	s9 =	smul.u32 $0x138800, s23;
	s6 =	sor.u32 $0x1C07, s30  }
0xb: {  	s15 =	sshrl.u32 @!p0 s15, $0x3;
	s23 =	simm.s32 $0x13AC0;
	s26 =	sshrl.u32 s25, $0x1  }
0xc: {  	s7 =	sshrl.u32 s24, $0x2;
	s29 =	sshrl.u32 s10, $0x3;
	s24 =	simm.s32 $0x13940  }
0xd: {  	s11 =	ssub.s32 s25, s26;
	s13 =	sadd.s32 s7, s2;
	s28 =	sshrl.u32 s9, $0x3  }
.Ltmp0:
0xe: {  	s9 =	sadd.s32 s10, s9;
	s25 =	simm.s32 $0x1;
	(pc) =	sbr.rel .LBB2_1-.Ltmp0, $4  }
0xf: {  	s26 =	simm.s32 $0x0;
	s4 =	sadd.s32 s4, s28;
	s9 =	sshrl.u32 s9, $0x3  }
0x10: {  	s31 =	sadd.s32 s8, s28;
	s10 =	smax.u32 s11, $0x1;
	s11 =	sadd.s32 $0x1200, s12  }
0x11: {  	s12 =	sadd.s32 $0x6800, s12;
	s13 =	sshrl.u32 s13, $0x3;
	s5 =	sadd.s32 s29, s4  }
0x12: {  	s7 =	sadd.s32 $0x27000, s4;
	s8 =	sadd.s32 s8, s9;
	s9 =	sadd.s32 $0x27000, s31  }
.LBB2_6:
0x13: {  	s0 =	simm.s32 $0x2  }
0x14: {  	_ =	swait.ge [sflag:s0], $0x4000  }
0x15: {  	[sflag:s0] =	ssyncset.done $0x0  }
0x16: {  	s31 =	simm.s32 $0x5;
	[sflag:s0] =	ssyncadd.s32 $0xFFFFC000  }
0x17: {  	[spmem:s2] =	stream.indirect.scatter.add.f32 [tilespmem:s19], [sflag:$0x5], $0x80, s18, s17, $0xb8;
	[tilespmem:$0x1FCC0] =	vst v63  }
0x18: {  	_ =	swait.ge [sflag:s31], $0x4000  }
0x19: {  	[sflag:s31] =	ssyncset.done $0x0  }
0x1a: {  	[sflag:s31] =	ssyncadd.s32 $0xFFFFC000  }
.LBB2_4:
0x1b: {  	[bflag:$0x0] =	sbarrier.arrive $0xFFFF  }
0x1c: {  	[hbm:s8], [sflag:s6] =	dma.local [spmem:s13], $0x2700  }
0x1d: {  	s26 =	sadd.s32 $0x1, s26;
	_ =	swait.ge [sflag:s14], $0x2700  }
0x1e: {  	p1 =	sne.s32 s26, s10;
	[sflag:s14] =	ssyncset.done $0x0  }
.Ltmp1:
0x1f: {  	s0 =	simm.s32 @!p0 $0x7;
	[sflag:s14] =	ssyncadd.s32 $0xFFFFD900;
	(pc) =	sbr.rel @!p1 .LBB2_5-.Ltmp1, $4  }
0x20: {  	[hbm:s9], [sflag:s6] =	dma.local @!p0 [spmem:s15], $0x100  }
0x21: {  	_ =	swait.ge @!p0 [sflag:s0], $0x100  }
0x22: {  	[sflag:s0] =	ssyncset.done @!p0 $0x0  }
0x23: {  	[sflag:s0] =	ssyncadd.s32 @!p0 $0xFFFFFF00  }
.LBB2_1:
0x24: {  	[spmem:s13], [sflag:s6] =	dma.local [hbm:s5], $0x2700  }
0x25: {  	_ =	swait.ge [sflag:s14], $0x2700  }
0x26: {  	[sflag:s14] =	ssyncset.done $0x0  }
0x27: {  	s28 =	simm.s32 @!p0 $0x7;
	[sflag:s14] =	ssyncadd.s32 $0xFFFFD900  }
0x28: {  	[spmem:s15], [sflag:s6] =	dma.local @!p0 [hbm:s7], $0x100  }
0x29: {  	_ =	swait.ge @!p0 [sflag:s28], $0x100  }
0x2a: {  	[sflag:s28] =	ssyncset.done @!p0 $0x0  }
0x2b: {  	s29 =	simm.s32 $0x0;
	[sflag:s28] =	ssyncadd.s32 @!p0 $0xFFFFFF00  }
0x2c: {  	s30 =	simm.s32 $0x0;
	s28 =	simm.s32 $0xFFFFFFFD;
	[bflag:$0x0] =	sbarrier.arrive $0xFFFF  }
.LBB2_2:
0x2d: {  	p2 =	seq.s32 s29, $0x5100  }
.Ltmp2:
0x2e: {  	p1 =	sgt.u32 s28, $0x4F;
	(pc) =	sbr.rel @p2 .LBB2_6-.Ltmp2, $4  }
0x2f: {  	s31 =	simm.s32 @!p1 $0x4  }
0x30: {  	_ =	swait.ge @!p1 [sflag:s31], $0x4000  }
0x31: {  	[sflag:s31] =	ssyncset.done @!p1 $0x0  }
0x32: {  	[sflag:s31] =	ssyncadd.s32 @!p1 $0xFFFFC000  }
0x33: {  	s31 =	sadd.s32 s29, s12  }
0x34: {  	[tilespmem:s21], [sflag:$0x7] =	stream.linear.gather [hbm4b:s31+s3], $0x80, $0x38;
	[tilespmem:$0x1FCC0] =	vst v63  }
0x35: {  	_ =	swait.ge [sflag:s14], $0x80  }
0x36: {  	[sflag:s14] =	ssyncset.done $0x0  }
0x37: {  	[sflag:s14] =	ssyncadd.s32 $0xFFFFFF80  }
0x38: {  	[tilespmem:s22], [sflag:$0x1] =	stream.indirect.gather [hbm4b:s4+s17], $0x80, s21, s17, $0xb8;
	[tilespmem:$0x1FCC0] =	vst v63  }
0x39: {  	s0 =	sadd.s32 s29, s11  }
0x3a: {  	[tilespmem:s23], [sflag:$0x7] =	stream.linear.gather [hbm4b:s0+s3], $0x80, $0x38;
	[tilespmem:$0x1FCC0] =	vst v63  }
0x3b: {  	s1 =	sadd.s32 $0x1, s28;
	_ =	swait.ge [sflag:s14], $0x80  }
0x3c: {  	p1 =	sgt.u32 s1, $0x4F;
	[sflag:s14] =	ssyncset.done $0x0  }
0x3d: {  	s1 =	simm.s32 @!p1 $0x2;
	[sflag:s14] =	ssyncadd.s32 $0xFFFFFF80  }
0x3e: {  	_ =	swait.ge @!p1 [sflag:s1], $0x4000  }
0x3f: {  	s16 =	simm.s32 @!p1 $0x13B40;
	[sflag:s1] =	ssyncset.done @!p1 $0x0  }
0x40: {  	s20 =	simm.s32 @!p1 $0x17CC0;
	[sflag:s1] =	ssyncadd.s32 @!p1 $0xFFFFC000;
	s1 =	simm.s32 @!p1 $0x80  }
0x41: {  	[spmem:s2] =	stream.indirect.scatter.add.f32 @!p1 [tilespmem:s20], [sflag:$0x5], $0x80, s16, s1, $0xb8;
	[tilespmem:$0x1FCC0] =	vst v63  }
0x42: {  	s1 =	simm.s32 @!p1 $0x5  }
0x43: {  	_ =	swait.ge @!p1 [sflag:s1], $0x4000  }
0x44: {  	[sflag:s1] =	ssyncset.done @!p1 $0x0  }
0x45: {  	s20 =	sadd.s32 $0x100, s31;
	[sflag:s1] =	ssyncadd.s32 @!p1 $0xFFFFC000  }
0x46: {  	[tilespmem:s24], [sflag:$0x7] =	stream.linear.gather [hbm4b:s20+s3], $0x80, $0x38;
	[tilespmem:$0x1FCC0] =	vst v63  }
0x47: {  	_ =	swait.ge [sflag:s14], $0x80  }
0x48: {  	[sflag:s14] =	ssyncset.done $0x0  }
0x49: {  	[sflag:s14] =	ssyncadd.s32 $0xFFFFFF80  }
0x4a: {  	[tilespmem:s19], [sflag:$0x2] =	stream.indirect.gather [hbm4b:s4+s17], $0x80, s24, s17, $0xb8;
	[tilespmem:$0x1FCC0] =	vst v63  }
0x4b: {  	s0 =	sadd.s32 $0x100, s0  }
0x4c: {  	[tilespmem:s18], [sflag:$0x7] =	stream.linear.gather [hbm4b:s0+s3], $0x80, $0x38;
	[tilespmem:$0x1FCC0] =	vst v63  }
0x4d: {  	s31 =	sadd.s32 $0x2, s28;
	_ =	swait.ge [sflag:s14], $0x80  }
0x4e: {  	p2 =	sgt.u32 s31, $0x4F;
	[sflag:s14] =	ssyncset.done $0x0  }
0x4f: {  	s0 =	simm.s32 @!p2 $0x3;
	[sflag:s14] =	ssyncadd.s32 $0xFFFFFF80  }
0x50: {  	_ =	swait.ge @!p2 [sflag:s0], $0x4000  }
0x51: {  	s16 =	simm.s32 @!p2 $0x1BCC0;
	[sflag:s0] =	ssyncset.done @!p2 $0x0  }
0x52: {  	s1 =	simm.s32 @!p2 $0x13BC0;
	[sflag:s0] =	ssyncadd.s32 @!p2 $0xFFFFC000;
	s0 =	simm.s32 @!p2 $0x80  }
0x53: {  	[spmem:s2] =	stream.indirect.scatter.add.f32 @!p2 [tilespmem:s16], [sflag:$0x6], $0x80, s1, s0, $0xb8;
	[tilespmem:$0x1FCC0] =	vst v63  }
0x54: {  	s0 =	simm.s32 @!p2 $0x6  }
0x55: {  	_ =	swait.ge @!p2 [sflag:s0], $0x4000  }
0x56: {  	p1 =	sgt.u32 s30, $0x19;
	[sflag:s0] =	ssyncset.done @!p2 $0x0  }
0x57: {  	[sflag:s0] =	ssyncadd.s32 @!p2 $0xFFFFC000;
	s0 =	sadd.s32 @!p1 s29, s12  }
0x58: {  	s1 =	simm.s32 @!p1 $0x0;
	s16 =	simm.s32 @!p1 $0x139C0;
	s0 =	sadd.s32 @!p1 $0x200, s0  }
0x59: {  	[tilespmem:s16], [sflag:$0x7] =	stream.linear.gather @!p1 [hbm4b:s0+s1], $0x80, $0x38;
	[tilespmem:$0x1FCC0] =	vst v63  }
0x5a: {  	s0 =	simm.s32 @!p1 $0x7  }
0x5b: {  	_ =	swait.ge @!p1 [sflag:s0], $0x80  }
0x5c: {  	[sflag:s0] =	ssyncset.done @!p1 $0x0  }
0x5d: {  	s20 =	simm.s32 @!p1 $0x80;
	s31 =	simm.s32 @!p1 $0x1BCC0;
	[sflag:s0] =	ssyncadd.s32 @!p1 $0xFFFFFF80  }
0x5e: {  	[tilespmem:s31], [sflag:$0x3] =	stream.indirect.gather @!p1 [hbm4b:s4+s20], $0x80, s16, s20, $0xb8;
	[tilespmem:$0x1FCC0] =	vst v63  }
0x5f: {  	s16 =	sadd.s32 @!p1 s29, s11  }
0x60: {  	s20 =	simm.s32 @!p1 $0x13BC0;
	s16 =	sadd.s32 @!p1 $0x200, s16  }
0x61: {  	[tilespmem:s20], [sflag:$0x7] =	stream.linear.gather @!p1 [hbm4b:s16+s1], $0x80, $0x38;
	[tilespmem:$0x1FCC0] =	vst v63  }
0x62: {  	_ =	swait.ge @!p1 [sflag:s0], $0x80  }
0x63: {  	s29 =	sadd.s32 $0x300, s29;
	[sflag:s0] =	ssyncset.done @!p1 $0x0  }
0x64: {  	[sflag:s0] =	ssyncadd.s32 @!p1 $0xFFFFFF80;
	p1 =	sne.s32 s29, $0x5400  }
.Ltmp3:
0x65: {  	_ = 	snop;
	(pc) =	sbr.rel @p1 .LBB2_2-.Ltmp3, $4  }
.Ltmp4:
0x66: {  	_ =	swait.ge [sflag:s25], $0x4000;
	(pc) =	sbr.rel @!p1 .LBB2_4-.Ltmp4, $4  }
0x67: {  	[sflag:s25] =	ssyncset.done $0x0  }
0x68: {  	s28 =	sadd.s32 $0x3, s28;
	s30 =	sadd.s32 $0x1, s30;
	[sflag:s25] =	ssyncadd.s32 $0xFFFFC000  }
0x69: {  	[spmem:s2] =	stream.indirect.scatter.add.f32 [tilespmem:s22], [sflag:$0x4], $0x80, s23, s17, $0xb8;
	[tilespmem:$0x1FCC0] =	vst v63  }
0x6a: {  	_ = 	snop  }
.LBB2_5:
0x6b: {  	_ =	sfence.sel $0x180000  }
0x6c: {  	[bflag:$0x0] =	sbarrier.arrive $0xFFFF  }
0x6d: {  	_ =	strace $0x9000004A  }
0x6e: {  	s0 =	stileid.u32;
	[bflag:$0x2] =	sbarrier.arrive $0xFFFF  }
0x6f: {  	p0 =	sne.s32 s0, $0x0;
	s0 =	rddreg [dreg:$0x3]  }
0x70: {  	s0 =	sadd.s32 @!p0 $0x100000, s0  }
0x71: {  	[sflag:s0] =	ssyncadd.tile.s32 @!p0 $0x1;
	_ =	shalt  }
.Lfunc_end2:
_tile_overlayer_lowered:
.L_overlay_start_2:
0x72: {  	(tag) =	ssettag $0x2  }
0x73: {  	s0 =	rddreg [dreg:$0x0];
	s2 =	stileid.u32  }
0x74: {  	s1 =	rddreg [dreg:$0x1];
	p0 =	sne.s32 s2, $0x0  }
0x75: {  	s3 =	rddreg [dreg:$0x2];
	[bflag:$0x3] =	sbarrier.arrive $0xFFFF;
	s2 =	simm.s32 @!p0 $0x1C07  }
0x76: {  	[timem:s3], [sflag:s2] =	dma.local @!p0 [hbm:s0], s1  }
0x77: {  	s0 =	simm.s32 @!p0 $0x7  }
0x78: {  	_ =	swait.ge @!p0 [sflag:s0], s1  }
0x79: {  	s1 =	ssub.s32 @!p0 $0x0, s1;
	[sflag:s0] =	ssyncset.done @!p0 $0x0  }
0x7a: {  	[sflag:s0] =	ssyncadd.s32 @!p0 s1  }
0x7b: {  	[bflag:$0x3] =	sbarrier.arrive $0xFFFF  }
0x7c: {  	_ =	shalt  }

</sc_bundles>
